<compile_context>
chip_gen: v7x
topology: tpu7x:2x2x1
jax: 0.10.2.dev20260603
libtpu: 0.0.44.dev20260713+nightly
codegen_flags: <defaults>
</compile_context>

<pallas_src>
import functools
import math

import jax
import jax.numpy as jnp
from jax import lax
from jax.experimental import pallas as pl
from jax.experimental.pallas import tpu as pltpu
from jax.experimental.pallas import tpu_sc as plsc


def _slots_block(wr_ref, er_ref, slot_ref, *, cap, sentinel, tb, nblocks):
    i = pl.program_id(0)
    w_i = jnp.broadcast_to(wr_ref[pl.ds(i, 1), :], (tb, tb)).T
    e_i = jnp.broadcast_to(er_ref[pl.ds(i, 1), :], (tb, tb)).T
    r_io = lax.broadcasted_iota(jnp.int32, (tb, tb), 0)
    c_io = lax.broadcasted_iota(jnp.int32, (tb, tb), 1)
    tri = (r_io > c_io).astype(jnp.float32)
    ones = jnp.ones((tb, tb), jnp.float32)
    zeros = jnp.zeros((tb, tb), jnp.float32)
    acc = zeros
    for j in range(nblocks):
        w_j = wr_ref[j:j + 1, :]
        e_j = er_ref[j:j + 1, :]
        tmask = jnp.where(j < i, ones, jnp.where(j == i, tri, zeros))
        same = (e_j == e_i).astype(jnp.float32)
        gt = (w_j > w_i).astype(jnp.float32)
        eq = (w_j == w_i).astype(jnp.float32)
        acc = acc + same * (gt + eq * tmask)
    rank = jnp.sum(acc, axis=1, keepdims=True).astype(jnp.int32)
    slot = jnp.where(rank < cap, e_i[:, :1] * cap + rank, sentinel)
    slot_row = jnp.broadcast_to(slot, (tb, tb)).T[0:1, :]
    slot_ref[...] = slot_row.reshape(1, 1, tb)


def _ffn_block(x_ref, w1_ref, wg_ref, w2_ref, out_ref, *, n_experts):
    e = pl.program_id(0)
    x_t = x_ref[...].T.astype(jnp.bfloat16)
    w1 = w1_ref[0].astype(jnp.bfloat16)
    wg = wg_ref[0].astype(jnp.bfloat16)
    w2 = w2_ref[0].astype(jnp.bfloat16)
    h_t = jnp.dot(w1, x_t, preferred_element_type=jnp.float32)
    g_t = jnp.dot(wg, x_t, preferred_element_type=jnp.float32)
    a = h_t * g_t * (1.0 / (1.0 + jnp.exp(-g_t)))
    y_t = jnp.dot(w2, a.astype(jnp.bfloat16),
                  preferred_element_type=jnp.float32)
    out_ref[...] = jnp.where(e < n_experts, y_t.T, 0.0)


def _dispatch_rows(hidden, slots, nrows):
    tokens, dmodel = hidden.shape
    info = plsc.get_sparse_core_info()
    nw = info.num_cores * info.num_subcores
    bpw = tokens // nw
    mesh = plsc.VectorSubcoreMesh(core_axis_name="c", subcore_axis_name="s")

    @functools.partial(
        pl.kernel,
        out_type=jax.ShapeDtypeStruct((nrows, dmodel), jnp.float32),
        mesh=mesh,
        scratch_types=[
            pltpu.VMEM((bpw,), jnp.int32),
            pltpu.VMEM((bpw, dmodel), jnp.float32),
            pltpu.SemaphoreType.DMA,
        ],
    )
    def disp(x_hbm, i_hbm, buf_hbm, idx_v, rows_v, sem):
        wid = lax.axis_index("s") * info.num_cores + lax.axis_index("c")
        base = wid * bpw
        pltpu.sync_copy(i_hbm.at[pl.ds(base, bpw)], idx_v)
        pltpu.sync_copy(x_hbm.at[pl.ds(base, bpw)], rows_v)
        pltpu.async_copy(rows_v, buf_hbm.at[idx_v], sem).wait()

    return disp(hidden, slots)


def _combine_rows(y_rows, slots, tokens):
    dmodel = y_rows.shape[1]
    info = plsc.get_sparse_core_info()
    nw = info.num_cores * info.num_subcores
    bpw = tokens // nw
    mesh = plsc.VectorSubcoreMesh(core_axis_name="c", subcore_axis_name="s")

    @functools.partial(
        pl.kernel,
        out_type=jax.ShapeDtypeStruct((tokens, dmodel), jnp.float32),
        mesh=mesh,
        scratch_types=[
            pltpu.VMEM((bpw,), jnp.int32),
            pltpu.VMEM((bpw, dmodel), jnp.float32),
            pltpu.SemaphoreType.DMA,
        ],
    )
    def comb(y_hbm, i_hbm, o_hbm, idx_v, rows_v, sem):
        wid = lax.axis_index("s") * info.num_cores + lax.axis_index("c")
        base = wid * bpw
        pltpu.sync_copy(i_hbm.at[pl.ds(base, bpw)], idx_v)
        pltpu.async_copy(y_hbm.at[idx_v], rows_v, sem).wait()
        pltpu.sync_copy(rows_v, o_hbm.at[pl.ds(base, bpw)])

    return comb(y_rows, slots)


def kernel(x, router_weight, ff_pre_act_weight, gate_weight,
           ff_post_act_weight):
    orig_shape = x.shape
    dmodel = x.shape[-1]
    tokens = math.prod(orig_shape[:-1])
    n_experts = router_weight.shape[0]
    dff = ff_pre_act_weight.shape[1]
    cap = max(1, math.ceil(1.25 * tokens / n_experts))
    sentinel = n_experts * cap
    nrows = (n_experts + 1) * cap
    tb = 128
    nblocks = tokens // tb
    eps = jnp.finfo(jnp.float32).eps

    hidden = x.reshape(tokens, dmodel)

    logits = jnp.einsum('th,eh->te', hidden, router_weight)
    probs = jax.nn.softmax(logits.astype(jnp.float32), axis=-1)
    p = jnp.max(probs, axis=-1)
    w = p / jnp.maximum(p, eps)
    e_idx = jnp.argmax(probs, axis=-1).astype(jnp.int32)

    slots2d = pl.pallas_call(
        functools.partial(_slots_block, cap=cap, sentinel=sentinel, tb=tb,
                          nblocks=nblocks),
        grid=(nblocks,),
        in_specs=[
            pl.BlockSpec((nblocks, tb), lambda i: (0, 0)),
            pl.BlockSpec((nblocks, tb), lambda i: (0, 0)),
        ],
        out_specs=pl.BlockSpec((1, 1, tb), lambda i: (i, 0, 0)),
        out_shape=jax.ShapeDtypeStruct((nblocks, 1, tb), jnp.int32),
    )(w.reshape(nblocks, tb), e_idx.reshape(nblocks, tb))
    slots = slots2d.reshape(tokens)

    buf = _dispatch_rows(hidden, slots, nrows)

    e_last = n_experts - 1
    y_rows = pl.pallas_call(
        functools.partial(_ffn_block, n_experts=n_experts),
        grid=(n_experts + 1,),
        in_specs=[
            pl.BlockSpec((cap, dmodel), lambda e: (jnp.minimum(e, e_last), 0)),
            pl.BlockSpec((1, dff, dmodel),
                         lambda e: (jnp.minimum(e, e_last), 0, 0)),
            pl.BlockSpec((1, dff, dmodel),
                         lambda e: (jnp.minimum(e, e_last), 0, 0)),
            pl.BlockSpec((1, dmodel, dff),
                         lambda e: (jnp.minimum(e, e_last), 0, 0)),
        ],
        out_specs=pl.BlockSpec((cap, dmodel), lambda e: (e, 0)),
        out_shape=jax.ShapeDtypeStruct((nrows, dmodel), jnp.float32),
    )(buf, ff_pre_act_weight, gate_weight, ff_post_act_weight)

    out = _combine_rows(y_rows, slots, tokens)
    return out.reshape(orig_shape)

# --- scband reference (transcript-rebuilt; emitter-appended) ---
"""Pipeline reference for scband-mo-e-2430951490105 (READ-ONLY COPY).

The authoritative reference and input builder live on the scoring server;
editing this copy changes nothing except your own understanding.
"""

import jax, jax.numpy as jnp
import numpy as np
import math

DMODEL = 768
DFF = 1024
E = 64
TOPK = 1
CAP_FACTOR = 1.25


def _trunc_normal(key, shape, fan_in, scale=1.0):
    std = scale * (1.0 / fan_in) ** 0.5
    u = jax.random.truncated_normal(key, -2.0, 2.0, shape, dtype=jnp.float32)
    return u * std


def setup_inputs(seed: int = 0) -> dict:
    key = jax.random.key(seed)
    k1, k2, k3, k4, k5 = jax.random.split(key, 5)
    x = jax.random.normal(k1, (1, 2048, DMODEL), dtype=jnp.float32)
    router_weight = _trunc_normal(k2, (E, DMODEL), DMODEL)
    ff_pre_act_weight = _trunc_normal(k3, (E, DFF, DMODEL), DMODEL)
    gate_weight = _trunc_normal(k4, (E, DFF, DMODEL), DMODEL)
    ff_post_act_weight = _trunc_normal(k5, (E, DMODEL, DFF), DFF)
    return {
        "x": x,
        "router_weight": router_weight,
        "ff_pre_act_weight": ff_pre_act_weight,
        "gate_weight": gate_weight,
        "ff_post_act_weight": ff_post_act_weight,
    }


def _moe_forward(x, router_weight, ff_pre_act_weight, gate_weight, ff_post_act_weight):
    original_shape = x.shape
    hidden = x.reshape(-1, DMODEL)
    num_tokens = hidden.shape[0]
    eps = jnp.finfo(jnp.float32).eps

    router_logits = jnp.einsum('th,eh->te', hidden, router_weight)
    router_probs = jax.nn.softmax(router_logits.astype(jnp.float32), axis=-1)
    topk_probs, selected_experts = jax.lax.top_k(router_probs, TOPK)
    topk_probs = topk_probs / jnp.maximum(topk_probs.sum(axis=-1, keepdims=True), eps)

    flat_tokens = jnp.repeat(jnp.arange(num_tokens), TOPK)
    flat_experts = selected_experts.reshape(-1)
    flat_weights = topk_probs.reshape(-1)
    total_assignments = num_tokens * TOPK
    capacity = max(1, math.ceil(CAP_FACTOR * total_assignments / E))

    # stable descending sort by weight, then stable group by expert
    weight_order = jnp.argsort(-flat_weights)  # jnp.argsort is stable
    grouped_order = jnp.argsort(flat_experts[weight_order])
    sort_order = weight_order[grouped_order]
    sorted_experts = flat_experts[sort_order]
    sorted_tokens = flat_tokens[sort_order]
    sorted_weights = flat_weights[sort_order]

    expert_counts = jnp.bincount(sorted_experts, length=E)
    expert_offsets = jnp.cumsum(expert_counts) - expert_counts
    slot_in_expert = jnp.arange(total_assignments) - expert_offsets[sorted_experts]
    keep = slot_in_expert < capacity

    masked_weights = jnp.where(keep, sorted_weights, 0.0)
    token_weight_sums = jnp.zeros(num_tokens, dtype=masked_weights.dtype).at[sorted_tokens].add(masked_weights)
    norm_weights = masked_weights / jnp.maximum(token_weight_sums[sorted_tokens], eps)

    flat_capacity = E * capacity
    dispatch_index = jnp.where(keep, sorted_experts * capacity + slot_in_expert, flat_capacity)

    gathered = jnp.where(keep[:, None], hidden[sorted_tokens], 0.0)
    expert_inputs = jnp.zeros((flat_capacity + 1, DMODEL), dtype=hidden.dtype).at[dispatch_index].set(gathered)
    expert_inputs = expert_inputs[:flat_capacity].reshape(E, capacity, DMODEL)

    ff_pre_act = jnp.einsum('ech,edh->ecd', expert_inputs, ff_pre_act_weight)
    gate = jnp.einsum('ech,edh->ecd', expert_inputs, gate_weight)
    expert_outputs = jnp.einsum('ecd,ehd->ech', ff_pre_act * jax.nn.silu(gate), ff_post_act_weight)

    flat_out = expert_outputs.reshape(flat_capacity, DMODEL)
    token_updates = flat_out[jnp.clip(dispatch_index, 0, flat_capacity - 1)]
    token_updates = token_updates * norm_weights.astype(hidden.dtype)[:, None]
    output = jnp.zeros((num_tokens, DMODEL), dtype=hidden.dtype).at[sorted_tokens].add(token_updates)
    return output.reshape(original_shape)


def reference(x, router_weight, ff_pre_act_weight, gate_weight, ff_post_act_weight):
    return _moe_forward(x, router_weight, ff_pre_act_weight, gate_weight, ff_post_act_weight)

if __name__ == "__main__":
    import jax
    _d = setup_inputs()
    print(jax.jit(kernel)(*tuple(_d.values())))

</pallas_src>

<mosaic_0001>
#map = affine_map<(d0, d1) -> (0, 0)>
#map1 = affine_map<(d0, d1) -> (0)>
module attributes {stable_mosaic.version = 14 : i64} {
  func.func @comb(%arg0: i32, %arg1: i32, %arg2: memref<2600x768xf32, #tpu.memory_space<hbm>>, %arg3: memref<2048xi32, #tpu.memory_space<hbm>>, %arg4: memref<2048x768xf32, #tpu.memory_space<hbm>>, %arg5: memref<64xi32, #tpu.memory_space<vmem>>, %arg6: memref<64x768xf32, #tpu.memory_space<vmem>>, %arg7: memref<!tpu.dma_semaphore, #tpu.memory_space<semaphore_mem>>) attributes {dimension_semantics = [#tpu.dimension_semantics<core_parallel>, #tpu.dimension_semantics<subcore_parallel>], iteration_bounds = array<i64: 2, 16>, scalar_prefetch = 0 : i64, scratch_operands = 3 : i64, tpu.core_type = #tpu.core_type<sc_vector_subcore>, window_params = [{transform_indices = #map}, {transform_indices = #map1}, {transform_indices = #map}]} {
    %mul3A = arith.constant 2 : i32
    %mul3A_0 = arith.muli %arg1, %mul3A : i32
    %add3A = arith.addi %mul3A_0, %arg0 : i32
    %mul3A_1 = arith.constant 64 : i32
    %mul3A_2 = arith.muli %add3A, %mul3A_1 : i32
    "tpu.region"() ({
      %run_scoped3A = tpu.sem_alloc : memref<!tpu.dma_semaphore, #tpu.memory_space<semaphore_mem>>
      %dma_start3A_7 = tpu.memref_slice %arg3[%mul3A_2] : memref<2048xi32, #tpu.memory_space<hbm>> -> memref<64xi32, #tpu.memory_space<hbm>>
      %dma_start3A_8 = tpu.memref_slice %arg3[%mul3A_2] : memref<2048xi32, #tpu.memory_space<hbm>> -> memref<64xi32, #tpu.memory_space<hbm>>
      tpu.enqueue_dma source(%dma_start3A_8 : memref<64xi32, #tpu.memory_space<hbm>>) target(%arg5 : memref<64xi32, #tpu.memory_space<vmem>>) target_semaphore(%run_scoped3A : memref<!tpu.dma_semaphore, #tpu.memory_space<semaphore_mem>>)
      %dma_wait3A_9 = tpu.memref_slice %arg3[%mul3A_2] : memref<2048xi32, #tpu.memory_space<hbm>> -> memref<64xi32, #tpu.memory_space<hbm>>
      %dma_wait3A_10 = tpu.memref_slice %arg3[%mul3A_2] : memref<2048xi32, #tpu.memory_space<hbm>> -> memref<64xi32, #tpu.memory_space<hbm>>
      tpu.wait_dma2 semaphore(%run_scoped3A : memref<!tpu.dma_semaphore, #tpu.memory_space<semaphore_mem>>) src(%dma_wait3A_10 : memref<64xi32, #tpu.memory_space<hbm>>) dst(%arg5 : memref<64xi32, #tpu.memory_space<vmem>>)
      tpu.yield
    }) : () -> ()
    %dma_start3A = arith.constant 0 : i32
    %dma_start3A_3 = arith.constant 0 : i32
    %dma_start3A_4 = tpu.memref_slice %arg2[%dma_start3A, %dma_start3A_3] : memref<2600x768xf32, #tpu.memory_space<hbm>> -> memref<2600x768xf32, #tpu.memory_space<hbm>>
    tpu.enqueue_indirect_dma source(%dma_start3A_4 : memref<2600x768xf32, #tpu.memory_space<hbm>>) target(%arg6 : memref<64x768xf32, #tpu.memory_space<vmem>>) offsets(%arg5 : memref<64xi32, #tpu.memory_space<vmem>>) semaphore(%arg7 : memref<!tpu.dma_semaphore, #tpu.memory_space<semaphore_mem>>)
    %dma_wait3A = arith.constant 0 : i32
    %dma_wait3A_5 = arith.constant 0 : i32
    %dma_wait3A_6 = tpu.memref_slice %arg2[%dma_wait3A, %dma_wait3A_5] : memref<2600x768xf32, #tpu.memory_space<hbm>> -> memref<2600x768xf32, #tpu.memory_space<hbm>>
    tpu.wait_indirect_dma semaphore(%arg7 : memref<!tpu.dma_semaphore, #tpu.memory_space<semaphore_mem>>) src(%dma_wait3A_6 : memref<2600x768xf32, #tpu.memory_space<hbm>>) dst(%arg6 : memref<64x768xf32, #tpu.memory_space<vmem>>)
    "tpu.region"() ({
      %run_scoped3A = tpu.sem_alloc : memref<!tpu.dma_semaphore, #tpu.memory_space<semaphore_mem>>
      %dma_start3A_7 = arith.constant 0 : i32
      %dma_start3A_8 = tpu.memref_slice %arg4[%mul3A_2, %dma_start3A_7] : memref<2048x768xf32, #tpu.memory_space<hbm>> -> memref<64x768xf32, #tpu.memory_space<hbm>>
      %dma_start3A_9 = arith.constant 0 : i32
      %dma_start3A_10 = tpu.memref_slice %arg4[%mul3A_2, %dma_start3A_9] : memref<2048x768xf32, #tpu.memory_space<hbm>> -> memref<64x768xf32, #tpu.memory_space<hbm>>
      tpu.enqueue_dma source(%arg6 : memref<64x768xf32, #tpu.memory_space<vmem>>) target(%dma_start3A_10 : memref<64x768xf32, #tpu.memory_space<hbm>>) target_semaphore(%run_scoped3A : memref<!tpu.dma_semaphore, #tpu.memory_space<semaphore_mem>>)
      %dma_wait3A_11 = arith.constant 0 : i32
      %dma_wait3A_12 = tpu.memref_slice %arg4[%mul3A_2, %dma_wait3A_11] : memref<2048x768xf32, #tpu.memory_space<hbm>> -> memref<64x768xf32, #tpu.memory_space<hbm>>
      %dma_wait3A_13 = arith.constant 0 : i32
      %dma_wait3A_14 = tpu.memref_slice %arg4[%mul3A_2, %dma_wait3A_13] : memref<2048x768xf32, #tpu.memory_space<hbm>> -> memref<64x768xf32, #tpu.memory_space<hbm>>
      tpu.wait_dma2 semaphore(%run_scoped3A : memref<!tpu.dma_semaphore, #tpu.memory_space<semaphore_mem>>) src(%arg6 : memref<64x768xf32, #tpu.memory_space<vmem>>) dst(%dma_wait3A_14 : memref<64x768xf32, #tpu.memory_space<hbm>>)
      tpu.yield
    }) : () -> ()
    return
  }
}

#map = affine_map<(d0, d1) -> (0, 0)>
#map1 = affine_map<(d0, d1) -> (0)>
module attributes {stable_mosaic.version = 14 : i64} {
  func.func @disp(%arg0: i32, %arg1: i32, %arg2: memref<2048x768xf32, #tpu.memory_space<hbm>>, %arg3: memref<2048xi32, #tpu.memory_space<hbm>>, %arg4: memref<2600x768xf32, #tpu.memory_space<hbm>>, %arg5: memref<64xi32, #tpu.memory_space<vmem>>, %arg6: memref<64x768xf32, #tpu.memory_space<vmem>>, %arg7: memref<!tpu.dma_semaphore, #tpu.memory_space<semaphore_mem>>) attributes {dimension_semantics = [#tpu.dimension_semantics<core_parallel>, #tpu.dimension_semantics<subcore_parallel>], iteration_bounds = array<i64: 2, 16>, scalar_prefetch = 0 : i64, scratch_operands = 3 : i64, tpu.core_type = #tpu.core_type<sc_vector_subcore>, window_params = [{transform_indices = #map}, {transform_indices = #map1}, {transform_indices = #map}]} {
    %mul3A = arith.constant 2 : i32
    %mul3A_0 = arith.muli %arg1, %mul3A : i32
    %add3A = arith.addi %mul3A_0, %arg0 : i32
    %mul3A_1 = arith.constant 64 : i32
    %mul3A_2 = arith.muli %add3A, %mul3A_1 : i32
    "tpu.region"() ({
      %run_scoped3A = tpu.sem_alloc : memref<!tpu.dma_semaphore, #tpu.memory_space<semaphore_mem>>
      %dma_start3A_7 = tpu.memref_slice %arg3[%mul3A_2] : memref<2048xi32, #tpu.memory_space<hbm>> -> memref<64xi32, #tpu.memory_space<hbm>>
      %dma_start3A_8 = tpu.memref_slice %arg3[%mul3A_2] : memref<2048xi32, #tpu.memory_space<hbm>> -> memref<64xi32, #tpu.memory_space<hbm>>
      tpu.enqueue_dma source(%dma_start3A_8 : memref<64xi32, #tpu.memory_space<hbm>>) target(%arg5 : memref<64xi32, #tpu.memory_space<vmem>>) target_semaphore(%run_scoped3A : memref<!tpu.dma_semaphore, #tpu.memory_space<semaphore_mem>>)
      %dma_wait3A_9 = tpu.memref_slice %arg3[%mul3A_2] : memref<2048xi32, #tpu.memory_space<hbm>> -> memref<64xi32, #tpu.memory_space<hbm>>
      %dma_wait3A_10 = tpu.memref_slice %arg3[%mul3A_2] : memref<2048xi32, #tpu.memory_space<hbm>> -> memref<64xi32, #tpu.memory_space<hbm>>
      tpu.wait_dma2 semaphore(%run_scoped3A : memref<!tpu.dma_semaphore, #tpu.memory_space<semaphore_mem>>) src(%dma_wait3A_10 : memref<64xi32, #tpu.memory_space<hbm>>) dst(%arg5 : memref<64xi32, #tpu.memory_space<vmem>>)
      tpu.yield
    }) : () -> ()
    "tpu.region"() ({
      %run_scoped3A = tpu.sem_alloc : memref<!tpu.dma_semaphore, #tpu.memory_space<semaphore_mem>>
      %dma_start3A_7 = arith.constant 0 : i32
      %dma_start3A_8 = tpu.memref_slice %arg2[%mul3A_2, %dma_start3A_7] : memref<2048x768xf32, #tpu.memory_space<hbm>> -> memref<64x768xf32, #tpu.memory_space<hbm>>
      %dma_start3A_9 = arith.constant 0 : i32
      %dma_start3A_10 = tpu.memref_slice %arg2[%mul3A_2, %dma_start3A_9] : memref<2048x768xf32, #tpu.memory_space<hbm>> -> memref<64x768xf32, #tpu.memory_space<hbm>>
      tpu.enqueue_dma source(%dma_start3A_10 : memref<64x768xf32, #tpu.memory_space<hbm>>) target(%arg6 : memref<64x768xf32, #tpu.memory_space<vmem>>) target_semaphore(%run_scoped3A : memref<!tpu.dma_semaphore, #tpu.memory_space<semaphore_mem>>)
      %dma_wait3A_11 = arith.constant 0 : i32
      %dma_wait3A_12 = tpu.memref_slice %arg2[%mul3A_2, %dma_wait3A_11] : memref<2048x768xf32, #tpu.memory_space<hbm>> -> memref<64x768xf32, #tpu.memory_space<hbm>>
      %dma_wait3A_13 = arith.constant 0 : i32
      %dma_wait3A_14 = tpu.memref_slice %arg2[%mul3A_2, %dma_wait3A_13] : memref<2048x768xf32, #tpu.memory_space<hbm>> -> memref<64x768xf32, #tpu.memory_space<hbm>>
      tpu.wait_dma2 semaphore(%run_scoped3A : memref<!tpu.dma_semaphore, #tpu.memory_space<semaphore_mem>>) src(%dma_wait3A_14 : memref<64x768xf32, #tpu.memory_space<hbm>>) dst(%arg6 : memref<64x768xf32, #tpu.memory_space<vmem>>)
      tpu.yield
    }) : () -> ()
    %dma_start3A = arith.constant 0 : i32
    %dma_start3A_3 = arith.constant 0 : i32
    %dma_start3A_4 = tpu.memref_slice %arg4[%dma_start3A, %dma_start3A_3] : memref<2600x768xf32, #tpu.memory_space<hbm>> -> memref<2600x768xf32, #tpu.memory_space<hbm>>
    tpu.enqueue_indirect_dma source(%arg6 : memref<64x768xf32, #tpu.memory_space<vmem>>) target(%dma_start3A_4 : memref<2600x768xf32, #tpu.memory_space<hbm>>) offsets(%arg5 : memref<64xi32, #tpu.memory_space<vmem>>) semaphore(%arg7 : memref<!tpu.dma_semaphore, #tpu.memory_space<semaphore_mem>>)
    %dma_wait3A = arith.constant 0 : i32
    %dma_wait3A_5 = arith.constant 0 : i32
    %dma_wait3A_6 = tpu.memref_slice %arg4[%dma_wait3A, %dma_wait3A_5] : memref<2600x768xf32, #tpu.memory_space<hbm>> -> memref<2600x768xf32, #tpu.memory_space<hbm>>
    tpu.wait_indirect_dma semaphore(%arg7 : memref<!tpu.dma_semaphore, #tpu.memory_space<semaphore_mem>>) src(%arg6 : memref<64x768xf32, #tpu.memory_space<vmem>>) dst(%dma_wait3A_6 : memref<2600x768xf32, #tpu.memory_space<hbm>>)
    return
  }
}

module attributes {stable_mosaic.version = 14 : i64} {
  func.func @_slots_block(%arg0: i32, %arg1: memref<16x128xf32, #tpu.memory_space<vmem>>, %arg2: memref<16x128xi32, #tpu.memory_space<vmem>>, %arg3: memref<1x1x128xi32, #tpu.memory_space<vmem>>) attributes {dimension_semantics = [#tpu.dimension_semantics<arbitrary>], iteration_bounds = array<i64: 16>, scalar_prefetch = 0 : i64, scratch_operands = 0 : i64, tpu.core_type = #tpu.core_type<tc>, window_params = [{pipeline_mode = #tpu.pipeline_mode<synchronous>, transform_indices = @transform_0, window_bounds = array<i64: 16, 128>}, {pipeline_mode = #tpu.pipeline_mode<synchronous>, transform_indices = @transform_1, window_bounds = array<i64: 16, 128>}, {transform_indices = @transform_2, window_bounds = array<i64: 1, 1, 128>}]} {
    %get3A = arith.index_cast %arg0 : i32 to index
    %get3A_0 = arith.constant 0 : index
    %get3A_1 = vector.load %arg1[%get3A, %get3A_0] : memref<16x128xf32, #tpu.memory_space<vmem>>, vector<1x128xf32>
    %broadcast_in_dim3A = vector.shape_cast %get3A_1 : vector<1x128xf32> to vector<1x128xf32>
    %broadcast_in_dim3A_2 = vector.broadcast %broadcast_in_dim3A : vector<1x128xf32> to vector<128x128xf32>
    %transpose3A = tpu.transpose %broadcast_in_dim3A_2, [1, 0] : vector<128x128xf32> -> vector<128x128xf32>
    %get3A_3 = arith.index_cast %arg0 : i32 to index
    %get3A_4 = arith.constant 0 : index
    %get3A_5 = vector.load %arg2[%get3A_3, %get3A_4] : memref<16x128xi32, #tpu.memory_space<vmem>>, vector<1x128xi32>
    %broadcast_in_dim3A_6 = vector.shape_cast %get3A_5 : vector<1x128xi32> to vector<1x128xi32>
    %broadcast_in_dim3A_7 = vector.broadcast %broadcast_in_dim3A_6 : vector<1x128xi32> to vector<128x128xi32>
    %transpose3A_8 = tpu.transpose %broadcast_in_dim3A_7, [1, 0] : vector<128x128xi32> -> vector<128x128xi32>
    %iota3A = tpu.iota {dimensions = array<i32: 0>} : vector<128x128xi32>
    %iota3A_9 = tpu.iota {dimensions = array<i32: 1>} : vector<128x128xi32>
    %gt3A = arith.cmpi sgt, %iota3A, %iota3A_9 : vector<128x128xi32>
    %convert_element_type3A = arith.extui %gt3A : vector<128x128xi1> to vector<128x128xi32>
    %convert_element_type3A_10 = arith.sitofp %convert_element_type3A : vector<128x128xi32> to vector<128x128xf32>
    %broadcast_in_dim3A_11 = arith.constant 1.000000e+00 : f32
    %broadcast_in_dim3A_12 = vector.broadcast %broadcast_in_dim3A_11 : f32 to vector<128x128xf32>
    %broadcast_in_dim3A_13 = arith.constant 0.000000e+00 : f32
    %broadcast_in_dim3A_14 = vector.broadcast %broadcast_in_dim3A_13 : f32 to vector<128x128xf32>
    %get3A_15 = arith.constant 0 : index
    %get3A_16 = arith.constant 0 : index
    %get3A_17 = vector.load %arg1[%get3A_15, %get3A_16] : memref<16x128xf32, #tpu.memory_space<vmem>>, vector<1x128xf32>
    %get3A_18 = arith.constant 0 : index
    %get3A_19 = arith.constant 0 : index
    %get3A_20 = vector.load %arg2[%get3A_18, %get3A_19] : memref<16x128xi32, #tpu.memory_space<vmem>>, vector<1x128xi32>
    %gt3A_21 = arith.constant 0 : i32
    %gt3A_22 = arith.cmpi sgt, %arg0, %gt3A_21 : i32
    %eq3A = arith.constant 0 : i32
    %eq3A_23 = arith.cmpi eq, %arg0, %eq3A : i32
    %select_n3A = arith.select %eq3A_23, %convert_element_type3A_10, %broadcast_in_dim3A_14 : vector<128x128xf32>
    %select_n3A_24 = arith.select %gt3A_22, %broadcast_in_dim3A_12, %select_n3A : vector<128x128xf32>
    %eq3A_25 = vector.broadcast %get3A_20 : vector<1x128xi32> to vector<128x128xi32>
    %eq3A_26 = arith.cmpi eq, %eq3A_25, %transpose3A_8 : vector<128x128xi32>
    %convert_element_type3A_27 = arith.extui %eq3A_26 : vector<128x128xi1> to vector<128x128xi32>
    %convert_element_type3A_28 = arith.sitofp %convert_element_type3A_27 : vector<128x128xi32> to vector<128x128xf32>
    %gt3A_29 = vector.broadcast %get3A_17 : vector<1x128xf32> to vector<128x128xf32>
    %gt3A_30 = arith.cmpf ogt, %gt3A_29, %transpose3A : vector<128x128xf32>
    %convert_element_type3A_31 = arith.extui %gt3A_30 : vector<128x128xi1> to vector<128x128xi32>
    %convert_element_type3A_32 = arith.sitofp %convert_element_type3A_31 : vector<128x128xi32> to vector<128x128xf32>
    %eq3A_33 = vector.broadcast %get3A_17 : vector<1x128xf32> to vector<128x128xf32>
    %eq3A_34 = arith.cmpf oeq, %eq3A_33, %transpose3A : vector<128x128xf32>
    %convert_element_type3A_35 = arith.extui %eq3A_34 : vector<128x128xi1> to vector<128x128xi32>
    %convert_element_type3A_36 = arith.sitofp %convert_element_type3A_35 : vector<128x128xi32> to vector<128x128xf32>
    %mul3A = arith.mulf %convert_element_type3A_36, %select_n3A_24 : vector<128x128xf32>
    %add3A = arith.addf %convert_element_type3A_32, %mul3A : vector<128x128xf32>
    %mul3A_37 = arith.mulf %convert_element_type3A_28, %add3A : vector<128x128xf32>
    %add3A_38 = arith.addf %broadcast_in_dim3A_14, %mul3A_37 : vector<128x128xf32>
    %get3A_39 = arith.constant 1 : index
    %get3A_40 = arith.constant 0 : index
    %get3A_41 = vector.load %arg1[%get3A_39, %get3A_40] : memref<16x128xf32, #tpu.memory_space<vmem>>, vector<1x128xf32>
    %get3A_42 = arith.constant 1 : index
    %get3A_43 = arith.constant 0 : index
    %get3A_44 = vector.load %arg2[%get3A_42, %get3A_43] : memref<16x128xi32, #tpu.memory_space<vmem>>, vector<1x128xi32>
    %gt3A_45 = arith.constant 1 : i32
    %gt3A_46 = arith.cmpi sgt, %arg0, %gt3A_45 : i32
    %eq3A_47 = arith.constant 1 : i32
    %eq3A_48 = arith.cmpi eq, %arg0, %eq3A_47 : i32
    %select_n3A_49 = arith.select %eq3A_48, %convert_element_type3A_10, %broadcast_in_dim3A_14 : vector<128x128xf32>
    %select_n3A_50 = arith.select %gt3A_46, %broadcast_in_dim3A_12, %select_n3A_49 : vector<128x128xf32>
    %eq3A_51 = vector.broadcast %get3A_44 : vector<1x128xi32> to vector<128x128xi32>
    %eq3A_52 = arith.cmpi eq, %eq3A_51, %transpose3A_8 : vector<128x128xi32>
    %convert_element_type3A_53 = arith.extui %eq3A_52 : vector<128x128xi1> to vector<128x128xi32>
    %convert_element_type3A_54 = arith.sitofp %convert_element_type3A_53 : vector<128x128xi32> to vector<128x128xf32>
    %gt3A_55 = vector.broadcast %get3A_41 : vector<1x128xf32> to vector<128x128xf32>
    %gt3A_56 = arith.cmpf ogt, %gt3A_55, %transpose3A : vector<128x128xf32>
    %convert_element_type3A_57 = arith.extui %gt3A_56 : vector<128x128xi1> to vector<128x128xi32>
    %convert_element_type3A_58 = arith.sitofp %convert_element_type3A_57 : vector<128x128xi32> to vector<128x128xf32>
    %eq3A_59 = vector.broadcast %get3A_41 : vector<1x128xf32> to vector<128x128xf32>
    %eq3A_60 = arith.cmpf oeq, %eq3A_59, %transpose3A : vector<128x128xf32>
    %convert_element_type3A_61 = arith.extui %eq3A_60 : vector<128x128xi1> to vector<128x128xi32>
    %convert_element_type3A_62 = arith.sitofp %convert_element_type3A_61 : vector<128x128xi32> to vector<128x128xf32>
    %mul3A_63 = arith.mulf %convert_element_type3A_62, %select_n3A_50 : vector<128x128xf32>
    %add3A_64 = arith.addf %convert_element_type3A_58, %mul3A_63 : vector<128x128xf32>
    %mul3A_65 = arith.mulf %convert_element_type3A_54, %add3A_64 : vector<128x128xf32>
    %add3A_66 = arith.addf %add3A_38, %mul3A_65 : vector<128x128xf32>
    %get3A_67 = arith.constant 2 : index
    %get3A_68 = arith.constant 0 : index
    %get3A_69 = vector.load %arg1[%get3A_67, %get3A_68] : memref<16x128xf32, #tpu.memory_space<vmem>>, vector<1x128xf32>
    %get3A_70 = arith.constant 2 : index
    %get3A_71 = arith.constant 0 : index
    %get3A_72 = vector.load %arg2[%get3A_70, %get3A_71] : memref<16x128xi32, #tpu.memory_space<vmem>>, vector<1x128xi32>
    %gt3A_73 = arith.constant 2 : i32
    %gt3A_74 = arith.cmpi sgt, %arg0, %gt3A_73 : i32
    %eq3A_75 = arith.constant 2 : i32
    %eq3A_76 = arith.cmpi eq, %arg0, %eq3A_75 : i32
    %select_n3A_77 = arith.select %eq3A_76, %convert_element_type3A_10, %broadcast_in_dim3A_14 : vector<128x128xf32>
    %select_n3A_78 = arith.select %gt3A_74, %broadcast_in_dim3A_12, %select_n3A_77 : vector<128x128xf32>
    %eq3A_79 = vector.broadcast %get3A_72 : vector<1x128xi32> to vector<128x128xi32>
    %eq3A_80 = arith.cmpi eq, %eq3A_79, %transpose3A_8 : vector<128x128xi32>
    %convert_element_type3A_81 = arith.extui %eq3A_80 : vector<128x128xi1> to vector<128x128xi32>
    %convert_element_type3A_82 = arith.sitofp %convert_element_type3A_81 : vector<128x128xi32> to vector<128x128xf32>
    %gt3A_83 = vector.broadcast %get3A_69 : vector<1x128xf32> to vector<128x128xf32>
    %gt3A_84 = arith.cmpf ogt, %gt3A_83, %transpose3A : vector<128x128xf32>
    %convert_element_type3A_85 = arith.extui %gt3A_84 : vector<128x128xi1> to vector<128x128xi32>
    %convert_element_type3A_86 = arith.sitofp %convert_element_type3A_85 : vector<128x128xi32> to vector<128x128xf32>
    %eq3A_87 = vector.broadcast %get3A_69 : vector<1x128xf32> to vector<128x128xf32>
    %eq3A_88 = arith.cmpf oeq, %eq3A_87, %transpose3A : vector<128x128xf32>
    %convert_element_type3A_89 = arith.extui %eq3A_88 : vector<128x128xi1> to vector<128x128xi32>
    %convert_element_type3A_90 = arith.sitofp %convert_element_type3A_89 : vector<128x128xi32> to vector<128x128xf32>
    %mul3A_91 = arith.mulf %convert_element_type3A_90, %select_n3A_78 : vector<128x128xf32>
    %add3A_92 = arith.addf %convert_element_type3A_86, %mul3A_91 : vector<128x128xf32>
    %mul3A_93 = arith.mulf %convert_element_type3A_82, %add3A_92 : vector<128x128xf32>
    %add3A_94 = arith.addf %add3A_66, %mul3A_93 : vector<128x128xf32>
    %get3A_95 = arith.constant 3 : index
    %get3A_96 = arith.constant 0 : index
    %get3A_97 = vector.load %arg1[%get3A_95, %get3A_96] : memref<16x128xf32, #tpu.memory_space<vmem>>, vector<1x128xf32>
    %get3A_98 = arith.constant 3 : index
    %get3A_99 = arith.constant 0 : index
    %get3A_100 = vector.load %arg2[%get3A_98, %get3A_99] : memref<16x128xi32, #tpu.memory_space<vmem>>, vector<1x128xi32>
    %gt3A_101 = arith.constant 3 : i32
    %gt3A_102 = arith.cmpi sgt, %arg0, %gt3A_101 : i32
    %eq3A_103 = arith.constant 3 : i32
    %eq3A_104 = arith.cmpi eq, %arg0, %eq3A_103 : i32
    %select_n3A_105 = arith.select %eq3A_104, %convert_element_type3A_10, %broadcast_in_dim3A_14 : vector<128x128xf32>
    %select_n3A_106 = arith.select %gt3A_102, %broadcast_in_dim3A_12, %select_n3A_105 : vector<128x128xf32>
    %eq3A_107 = vector.broadcast %get3A_100 : vector<1x128xi32> to vector<128x128xi32>
    %eq3A_108 = arith.cmpi eq, %eq3A_107, %transpose3A_8 : vector<128x128xi32>
    %convert_element_type3A_109 = arith.extui %eq3A_108 : vector<128x128xi1> to vector<128x128xi32>
    %convert_element_type3A_110 = arith.sitofp %convert_element_type3A_109 : vector<128x128xi32> to vector<128x128xf32>
    %gt3A_111 = vector.broadcast %get3A_97 : vector<1x128xf32> to vector<128x128xf32>
    %gt3A_112 = arith.cmpf ogt, %gt3A_111, %transpose3A : vector<128x128xf32>
    %convert_element_type3A_113 = arith.extui %gt3A_112 : vector<128x128xi1> to vector<128x128xi32>
    %convert_element_type3A_114 = arith.sitofp %convert_element_type3A_113 : vector<128x128xi32> to vector<128x128xf32>
    %eq3A_115 = vector.broadcast %get3A_97 : vector<1x128xf32> to vector<128x128xf32>
    %eq3A_116 = arith.cmpf oeq, %eq3A_115, %transpose3A : vector<128x128xf32>
    %convert_element_type3A_117 = arith.extui %eq3A_116 : vector<128x128xi1> to vector<128x128xi32>
    %convert_element_type3A_118 = arith.sitofp %convert_element_type3A_117 : vector<128x128xi32> to vector<128x128xf32>
    %mul3A_119 = arith.mulf %convert_element_type3A_118, %select_n3A_106 : vector<128x128xf32>
    %add3A_120 = arith.addf %convert_element_type3A_114, %mul3A_119 : vector<128x128xf32>
    %mul3A_121 = arith.mulf %convert_element_type3A_110, %add3A_120 : vector<128x128xf32>
    %add3A_122 = arith.addf %add3A_94, %mul3A_121 : vector<128x128xf32>
    %get3A_123 = arith.constant 4 : index
    %get3A_124 = arith.constant 0 : index
    %get3A_125 = vector.load %arg1[%get3A_123, %get3A_124] : memref<16x128xf32, #tpu.memory_space<vmem>>, vector<1x128xf32>
    %get3A_126 = arith.constant 4 : index
    %get3A_127 = arith.constant 0 : index
    %get3A_128 = vector.load %arg2[%get3A_126, %get3A_127] : memref<16x128xi32, #tpu.memory_space<vmem>>, vector<1x128xi32>
    %gt3A_129 = arith.constant 4 : i32
    %gt3A_130 = arith.cmpi sgt, %arg0, %gt3A_129 : i32
    %eq3A_131 = arith.constant 4 : i32
    %eq3A_132 = arith.cmpi eq, %arg0, %eq3A_131 : i32
    %select_n3A_133 = arith.select %eq3A_132, %convert_element_type3A_10, %broadcast_in_dim3A_14 : vector<128x128xf32>
    %select_n3A_134 = arith.select %gt3A_130, %broadcast_in_dim3A_12, %select_n3A_133 : vector<128x128xf32>
    %eq3A_135 = vector.broadcast %get3A_128 : vector<1x128xi32> to vector<128x128xi32>
    %eq3A_136 = arith.cmpi eq, %eq3A_135, %transpose3A_8 : vector<128x128xi32>
    %convert_element_type3A_137 = arith.extui %eq3A_136 : vector<128x128xi1> to vector<128x128xi32>
    %convert_element_type3A_138 = arith.sitofp %convert_element_type3A_137 : vector<128x128xi32> to vector<128x128xf32>
    %gt3A_139 = vector.broadcast %get3A_125 : vector<1x128xf32> to vector<128x128xf32>
    %gt3A_140 = arith.cmpf ogt, %gt3A_139, %transpose3A : vector<128x128xf32>
    %convert_element_type3A_141 = arith.extui %gt3A_140 : vector<128x128xi1> to vector<128x128xi32>
    %convert_element_type3A_142 = arith.sitofp %convert_element_type3A_141 : vector<128x128xi32> to vector<128x128xf32>
    %eq3A_143 = vector.broadcast %get3A_125 : vector<1x128xf32> to vector<128x128xf32>
    %eq3A_144 = arith.cmpf oeq, %eq3A_143, %transpose3A : vector<128x128xf32>
    %convert_element_type3A_145 = arith.extui %eq3A_144 : vector<128x128xi1> to vector<128x128xi32>
    %convert_element_type3A_146 = arith.sitofp %convert_element_type3A_145 : vector<128x128xi32> to vector<128x128xf32>
    %mul3A_147 = arith.mulf %convert_element_type3A_146, %select_n3A_134 : vector<128x128xf32>
    %add3A_148 = arith.addf %convert_element_type3A_142, %mul3A_147 : vector<128x128xf32>
    %mul3A_149 = arith.mulf %convert_element_type3A_138, %add3A_148 : vector<128x128xf32>
    %add3A_150 = arith.addf %add3A_122, %mul3A_149 : vector<128x128xf32>
    %get3A_151 = arith.constant 5 : index
    %get3A_152 = arith.constant 0 : index
    %get3A_153 = vector.load %arg1[%get3A_151, %get3A_152] : memref<16x128xf32, #tpu.memory_space<vmem>>, vector<1x128xf32>
    %get3A_154 = arith.constant 5 : index
    %get3A_155 = arith.constant 0 : index
    %get3A_156 = vector.load %arg2[%get3A_154, %get3A_155] : memref<16x128xi32, #tpu.memory_space<vmem>>, vector<1x128xi32>
    %gt3A_157 = arith.constant 5 : i32
    %gt3A_158 = arith.cmpi sgt, %arg0, %gt3A_157 : i32
    %eq3A_159 = arith.constant 5 : i32
    %eq3A_160 = arith.cmpi eq, %arg0, %eq3A_159 : i32
    %select_n3A_161 = arith.select %eq3A_160, %convert_element_type3A_10, %broadcast_in_dim3A_14 : vector<128x128xf32>
    %select_n3A_162 = arith.select %gt3A_158, %broadcast_in_dim3A_12, %select_n3A_161 : vector<128x128xf32>
    %eq3A_163 = vector.broadcast %get3A_156 : vector<1x128xi32> to vector<128x128xi32>
    %eq3A_164 = arith.cmpi eq, %eq3A_163, %transpose3A_8 : vector<128x128xi32>
    %convert_element_type3A_165 = arith.extui %eq3A_164 : vector<128x128xi1> to vector<128x128xi32>
    %convert_element_type3A_166 = arith.sitofp %convert_element_type3A_165 : vector<128x128xi32> to vector<128x128xf32>
    %gt3A_167 = vector.broadcast %get3A_153 : vector<1x128xf32> to vector<128x128xf32>
    %gt3A_168 = arith.cmpf ogt, %gt3A_167, %transpose3A : vector<128x128xf32>
    %convert_element_type3A_169 = arith.extui %gt3A_168 : vector<128x128xi1> to vector<128x128xi32>
    %convert_element_type3A_170 = arith.sitofp %convert_element_type3A_169 : vector<128x128xi32> to vector<128x128xf32>
    %eq3A_171 = vector.broadcast %get3A_153 : vector<1x128xf32> to vector<128x128xf32>
    %eq3A_172 = arith.cmpf oeq, %eq3A_171, %transpose3A : vector<128x128xf32>
    %convert_element_type3A_173 = arith.extui %eq3A_172 : vector<128x128xi1> to vector<128x128xi32>
    %convert_element_type3A_174 = arith.sitofp %convert_element_type3A_173 : vector<128x128xi32> to vector<128x128xf32>
    %mul3A_175 = arith.mulf %convert_element_type3A_174, %select_n3A_162 : vector<128x128xf32>
    %add3A_176 = arith.addf %convert_element_type3A_170, %mul3A_175 : vector<128x128xf32>
    %mul3A_177 = arith.mulf %convert_element_type3A_166, %add3A_176 : vector<128x128xf32>
    %add3A_178 = arith.addf %add3A_150, %mul3A_177 : vector<128x128xf32>
    %get3A_179 = arith.constant 6 : index
    %get3A_180 = arith.constant 0 : index
    %get3A_181 = vector.load %arg1[%get3A_179, %get3A_180] : memref<16x128xf32, #tpu.memory_space<vmem>>, vector<1x128xf32>
    %get3A_182 = arith.constant 6 : index
    %get3A_183 = arith.constant 0 : index
    %get3A_184 = vector.load %arg2[%get3A_182, %get3A_183] : memref<16x128xi32, #tpu.memory_space<vmem>>, vector<1x128xi32>
    %gt3A_185 = arith.constant 6 : i32
    %gt3A_186 = arith.cmpi sgt, %arg0, %gt3A_185 : i32
    %eq3A_187 = arith.constant 6 : i32
    %eq3A_188 = arith.cmpi eq, %arg0, %eq3A_187 : i32
    %select_n3A_189 = arith.select %eq3A_188, %convert_element_type3A_10, %broadcast_in_dim3A_14 : vector<128x128xf32>
    %select_n3A_190 = arith.select %gt3A_186, %broadcast_in_dim3A_12, %select_n3A_189 : vector<128x128xf32>
    %eq3A_191 = vector.broadcast %get3A_184 : vector<1x128xi32> to vector<128x128xi32>
    %eq3A_192 = arith.cmpi eq, %eq3A_191, %transpose3A_8 : vector<128x128xi32>
    %convert_element_type3A_193 = arith.extui %eq3A_192 : vector<128x128xi1> to vector<128x128xi32>
    %convert_element_type3A_194 = arith.sitofp %convert_element_type3A_193 : vector<128x128xi32> to vector<128x128xf32>
    %gt3A_195 = vector.broadcast %get3A_181 : vector<1x128xf32> to vector<128x128xf32>
    %gt3A_196 = arith.cmpf ogt, %gt3A_195, %transpose3A : vector<128x128xf32>
    %convert_element_type3A_197 = arith.extui %gt3A_196 : vector<128x128xi1> to vector<128x128xi32>
    %convert_element_type3A_198 = arith.sitofp %convert_element_type3A_197 : vector<128x128xi32> to vector<128x128xf32>
    %eq3A_199 = vector.broadcast %get3A_181 : vector<1x128xf32> to vector<128x128xf32>
    %eq3A_200 = arith.cmpf oeq, %eq3A_199, %transpose3A : vector<128x128xf32>
    %convert_element_type3A_201 = arith.extui %eq3A_200 : vector<128x128xi1> to vector<128x128xi32>
    %convert_element_type3A_202 = arith.sitofp %convert_element_type3A_201 : vector<128x128xi32> to vector<128x128xf32>
    %mul3A_203 = arith.mulf %convert_element_type3A_202, %select_n3A_190 : vector<128x128xf32>
    %add3A_204 = arith.addf %convert_element_type3A_198, %mul3A_203 : vector<128x128xf32>
    %mul3A_205 = arith.mulf %convert_element_type3A_194, %add3A_204 : vector<128x128xf32>
    %add3A_206 = arith.addf %add3A_178, %mul3A_205 : vector<128x128xf32>
    %get3A_207 = arith.constant 7 : index
    %get3A_208 = arith.constant 0 : index
    %get3A_209 = vector.load %arg1[%get3A_207, %get3A_208] : memref<16x128xf32, #tpu.memory_space<vmem>>, vector<1x128xf32>
    %get3A_210 = arith.constant 7 : index
    %get3A_211 = arith.constant 0 : index
    %get3A_212 = vector.load %arg2[%get3A_210, %get3A_211] : memref<16x128xi32, #tpu.memory_space<vmem>>, vector<1x128xi32>
    %gt3A_213 = arith.constant 7 : i32
    %gt3A_214 = arith.cmpi sgt, %arg0, %gt3A_213 : i32
    %eq3A_215 = arith.constant 7 : i32
    %eq3A_216 = arith.cmpi eq, %arg0, %eq3A_215 : i32
    %select_n3A_217 = arith.select %eq3A_216, %convert_element_type3A_10, %broadcast_in_dim3A_14 : vector<128x128xf32>
    %select_n3A_218 = arith.select %gt3A_214, %broadcast_in_dim3A_12, %select_n3A_217 : vector<128x128xf32>
    %eq3A_219 = vector.broadcast %get3A_212 : vector<1x128xi32> to vector<128x128xi32>
    %eq3A_220 = arith.cmpi eq, %eq3A_219, %transpose3A_8 : vector<128x128xi32>
    %convert_element_type3A_221 = arith.extui %eq3A_220 : vector<128x128xi1> to vector<128x128xi32>
    %convert_element_type3A_222 = arith.sitofp %convert_element_type3A_221 : vector<128x128xi32> to vector<128x128xf32>
    %gt3A_223 = vector.broadcast %get3A_209 : vector<1x128xf32> to vector<128x128xf32>
    %gt3A_224 = arith.cmpf ogt, %gt3A_223, %transpose3A : vector<128x128xf32>
    %convert_element_type3A_225 = arith.extui %gt3A_224 : vector<128x128xi1> to vector<128x128xi32>
    %convert_element_type3A_226 = arith.sitofp %convert_element_type3A_225 : vector<128x128xi32> to vector<128x128xf32>
    %eq3A_227 = vector.broadcast %get3A_209 : vector<1x128xf32> to vector<128x128xf32>
    %eq3A_228 = arith.cmpf oeq, %eq3A_227, %transpose3A : vector<128x128xf32>
    %convert_element_type3A_229 = arith.extui %eq3A_228 : vector<128x128xi1> to vector<128x128xi32>
    %convert_element_type3A_230 = arith.sitofp %convert_element_type3A_229 : vector<128x128xi32> to vector<128x128xf32>
    %mul3A_231 = arith.mulf %convert_element_type3A_230, %select_n3A_218 : vector<128x128xf32>
    %add3A_232 = arith.addf %convert_element_type3A_226, %mul3A_231 : vector<128x128xf32>
    %mul3A_233 = arith.mulf %convert_element_type3A_222, %add3A_232 : vector<128x128xf32>
    %add3A_234 = arith.addf %add3A_206, %mul3A_233 : vector<128x128xf32>
    %get3A_235 = arith.constant 8 : index
    %get3A_236 = arith.constant 0 : index
    %get3A_237 = vector.load %arg1[%get3A_235, %get3A_236] : memref<16x128xf32, #tpu.memory_space<vmem>>, vector<1x128xf32>
    %get3A_238 = arith.constant 8 : index
    %get3A_239 = arith.constant 0 : index
    %get3A_240 = vector.load %arg2[%get3A_238, %get3A_239] : memref<16x128xi32, #tpu.memory_space<vmem>>, vector<1x128xi32>
    %gt3A_241 = arith.constant 8 : i32
    %gt3A_242 = arith.cmpi sgt, %arg0, %gt3A_241 : i32
    %eq3A_243 = arith.constant 8 : i32
    %eq3A_244 = arith.cmpi eq, %arg0, %eq3A_243 : i32
    %select_n3A_245 = arith.select %eq3A_244, %convert_element_type3A_10, %broadcast_in_dim3A_14 : vector<128x128xf32>
    %select_n3A_246 = arith.select %gt3A_242, %broadcast_in_dim3A_12, %select_n3A_245 : vector<128x128xf32>
    %eq3A_247 = vector.broadcast %get3A_240 : vector<1x128xi32> to vector<128x128xi32>
    %eq3A_248 = arith.cmpi eq, %eq3A_247, %transpose3A_8 : vector<128x128xi32>
    %convert_element_type3A_249 = arith.extui %eq3A_248 : vector<128x128xi1> to vector<128x128xi32>
    %convert_element_type3A_250 = arith.sitofp %convert_element_type3A_249 : vector<128x128xi32> to vector<128x128xf32>
    %gt3A_251 = vector.broadcast %get3A_237 : vector<1x128xf32> to vector<128x128xf32>
    %gt3A_252 = arith.cmpf ogt, %gt3A_251, %transpose3A : vector<128x128xf32>
    %convert_element_type3A_253 = arith.extui %gt3A_252 : vector<128x128xi1> to vector<128x128xi32>
    %convert_element_type3A_254 = arith.sitofp %convert_element_type3A_253 : vector<128x128xi32> to vector<128x128xf32>
    %eq3A_255 = vector.broadcast %get3A_237 : vector<1x128xf32> to vector<128x128xf32>
    %eq3A_256 = arith.cmpf oeq, %eq3A_255, %transpose3A : vector<128x128xf32>
    %convert_element_type3A_257 = arith.extui %eq3A_256 : vector<128x128xi1> to vector<128x128xi32>
    %convert_element_type3A_258 = arith.sitofp %convert_element_type3A_257 : vector<128x128xi32> to vector<128x128xf32>
    %mul3A_259 = arith.mulf %convert_element_type3A_258, %select_n3A_246 : vector<128x128xf32>
    %add3A_260 = arith.addf %convert_element_type3A_254, %mul3A_259 : vector<128x128xf32>
    %mul3A_261 = arith.mulf %convert_element_type3A_250, %add3A_260 : vector<128x128xf32>
    %add3A_262 = arith.addf %add3A_234, %mul3A_261 : vector<128x128xf32>
    %get3A_263 = arith.constant 9 : index
    %get3A_264 = arith.constant 0 : index
    %get3A_265 = vector.load %arg1[%get3A_263, %get3A_264] : memref<16x128xf32, #tpu.memory_space<vmem>>, vector<1x128xf32>
    %get3A_266 = arith.constant 9 : index
    %get3A_267 = arith.constant 0 : index
    %get3A_268 = vector.load %arg2[%get3A_266, %get3A_267] : memref<16x128xi32, #tpu.memory_space<vmem>>, vector<1x128xi32>
    %gt3A_269 = arith.constant 9 : i32
    %gt3A_270 = arith.cmpi sgt, %arg0, %gt3A_269 : i32
    %eq3A_271 = arith.constant 9 : i32
    %eq3A_272 = arith.cmpi eq, %arg0, %eq3A_271 : i32
    %select_n3A_273 = arith.select %eq3A_272, %convert_element_type3A_10, %broadcast_in_dim3A_14 : vector<128x128xf32>
    %select_n3A_274 = arith.select %gt3A_270, %broadcast_in_dim3A_12, %select_n3A_273 : vector<128x128xf32>
    %eq3A_275 = vector.broadcast %get3A_268 : vector<1x128xi32> to vector<128x128xi32>
    %eq3A_276 = arith.cmpi eq, %eq3A_275, %transpose3A_8 : vector<128x128xi32>
    %convert_element_type3A_277 = arith.extui %eq3A_276 : vector<128x128xi1> to vector<128x128xi32>
    %convert_element_type3A_278 = arith.sitofp %convert_element_type3A_277 : vector<128x128xi32> to vector<128x128xf32>
    %gt3A_279 = vector.broadcast %get3A_265 : vector<1x128xf32> to vector<128x128xf32>
    %gt3A_280 = arith.cmpf ogt, %gt3A_279, %transpose3A : vector<128x128xf32>
    %convert_element_type3A_281 = arith.extui %gt3A_280 : vector<128x128xi1> to vector<128x128xi32>
    %convert_element_type3A_282 = arith.sitofp %convert_element_type3A_281 : vector<128x128xi32> to vector<128x128xf32>
    %eq3A_283 = vector.broadcast %get3A_265 : vector<1x128xf32> to vector<128x128xf32>
    %eq3A_284 = arith.cmpf oeq, %eq3A_283, %transpose3A : vector<128x128xf32>
    %convert_element_type3A_285 = arith.extui %eq3A_284 : vector<128x128xi1> to vector<128x128xi32>
    %convert_element_type3A_286 = arith.sitofp %convert_element_type3A_285 : vector<128x128xi32> to vector<128x128xf32>
    %mul3A_287 = arith.mulf %convert_element_type3A_286, %select_n3A_274 : vector<128x128xf32>
    %add3A_288 = arith.addf %convert_element_type3A_282, %mul3A_287 : vector<128x128xf32>
    %mul3A_289 = arith.mulf %convert_element_type3A_278, %add3A_288 : vector<128x128xf32>
    %add3A_290 = arith.addf %add3A_262, %mul3A_289 : vector<128x128xf32>
    %get3A_291 = arith.constant 10 : index
    %get3A_292 = arith.constant 0 : index
    %get3A_293 = vector.load %arg1[%get3A_291, %get3A_292] : memref<16x128xf32, #tpu.memory_space<vmem>>, vector<1x128xf32>
    %get3A_294 = arith.constant 10 : index
    %get3A_295 = arith.constant 0 : index
    %get3A_296 = vector.load %arg2[%get3A_294, %get3A_295] : memref<16x128xi32, #tpu.memory_space<vmem>>, vector<1x128xi32>
    %gt3A_297 = arith.constant 10 : i32
    %gt3A_298 = arith.cmpi sgt, %arg0, %gt3A_297 : i32
    %eq3A_299 = arith.constant 10 : i32
    %eq3A_300 = arith.cmpi eq, %arg0, %eq3A_299 : i32
    %select_n3A_301 = arith.select %eq3A_300, %convert_element_type3A_10, %broadcast_in_dim3A_14 : vector<128x128xf32>
    %select_n3A_302 = arith.select %gt3A_298, %broadcast_in_dim3A_12, %select_n3A_301 : vector<128x128xf32>
    %eq3A_303 = vector.broadcast %get3A_296 : vector<1x128xi32> to vector<128x128xi32>
    %eq3A_304 = arith.cmpi eq, %eq3A_303, %transpose3A_8 : vector<128x128xi32>
    %convert_element_type3A_305 = arith.extui %eq3A_304 : vector<128x128xi1> to vector<128x128xi32>
    %convert_element_type3A_306 = arith.sitofp %convert_element_type3A_305 : vector<128x128xi32> to vector<128x128xf32>
    %gt3A_307 = vector.broadcast %get3A_293 : vector<1x128xf32> to vector<128x128xf32>
    %gt3A_308 = arith.cmpf ogt, %gt3A_307, %transpose3A : vector<128x128xf32>
    %convert_element_type3A_309 = arith.extui %gt3A_308 : vector<128x128xi1> to vector<128x128xi32>
    %convert_element_type3A_310 = arith.sitofp %convert_element_type3A_309 : vector<128x128xi32> to vector<128x128xf32>
    %eq3A_311 = vector.broadcast %get3A_293 : vector<1x128xf32> to vector<128x128xf32>
    %eq3A_312 = arith.cmpf oeq, %eq3A_311, %transpose3A : vector<128x128xf32>
    %convert_element_type3A_313 = arith.extui %eq3A_312 : vector<128x128xi1> to vector<128x128xi32>
    %convert_element_type3A_314 = arith.sitofp %convert_element_type3A_313 : vector<128x128xi32> to vector<128x128xf32>
    %mul3A_315 = arith.mulf %convert_element_type3A_314, %select_n3A_302 : vector<128x128xf32>
    %add3A_316 = arith.addf %convert_element_type3A_310, %mul3A_315 : vector<128x128xf32>
    %mul3A_317 = arith.mulf %convert_element_type3A_306, %add3A_316 : vector<128x128xf32>
    %add3A_318 = arith.addf %add3A_290, %mul3A_317 : vector<128x128xf32>
    %get3A_319 = arith.constant 11 : index
    %get3A_320 = arith.constant 0 : index
    %get3A_321 = vector.load %arg1[%get3A_319, %get3A_320] : memref<16x128xf32, #tpu.memory_space<vmem>>, vector<1x128xf32>
    %get3A_322 = arith.constant 11 : index
    %get3A_323 = arith.constant 0 : index
    %get3A_324 = vector.load %arg2[%get3A_322, %get3A_323] : memref<16x128xi32, #tpu.memory_space<vmem>>, vector<1x128xi32>
    %gt3A_325 = arith.constant 11 : i32
    %gt3A_326 = arith.cmpi sgt, %arg0, %gt3A_325 : i32
    %eq3A_327 = arith.constant 11 : i32
    %eq3A_328 = arith.cmpi eq, %arg0, %eq3A_327 : i32
    %select_n3A_329 = arith.select %eq3A_328, %convert_element_type3A_10, %broadcast_in_dim3A_14 : vector<128x128xf32>
    %select_n3A_330 = arith.select %gt3A_326, %broadcast_in_dim3A_12, %select_n3A_329 : vector<128x128xf32>
    %eq3A_331 = vector.broadcast %get3A_324 : vector<1x128xi32> to vector<128x128xi32>
    %eq3A_332 = arith.cmpi eq, %eq3A_331, %transpose3A_8 : vector<128x128xi32>
    %convert_element_type3A_333 = arith.extui %eq3A_332 : vector<128x128xi1> to vector<128x128xi32>
    %convert_element_type3A_334 = arith.sitofp %convert_element_type3A_333 : vector<128x128xi32> to vector<128x128xf32>
    %gt3A_335 = vector.broadcast %get3A_321 : vector<1x128xf32> to vector<128x128xf32>
    %gt3A_336 = arith.cmpf ogt, %gt3A_335, %transpose3A : vector<128x128xf32>
    %convert_element_type3A_337 = arith.extui %gt3A_336 : vector<128x128xi1> to vector<128x128xi32>
    %convert_element_type3A_338 = arith.sitofp %convert_element_type3A_337 : vector<128x128xi32> to vector<128x128xf32>
    %eq3A_339 = vector.broadcast %get3A_321 : vector<1x128xf32> to vector<128x128xf32>
    %eq3A_340 = arith.cmpf oeq, %eq3A_339, %transpose3A : vector<128x128xf32>
    %convert_element_type3A_341 = arith.extui %eq3A_340 : vector<128x128xi1> to vector<128x128xi32>
    %convert_element_type3A_342 = arith.sitofp %convert_element_type3A_341 : vector<128x128xi32> to vector<128x128xf32>
    %mul3A_343 = arith.mulf %convert_element_type3A_342, %select_n3A_330 : vector<128x128xf32>
    %add3A_344 = arith.addf %convert_element_type3A_338, %mul3A_343 : vector<128x128xf32>
    %mul3A_345 = arith.mulf %convert_element_type3A_334, %add3A_344 : vector<128x128xf32>
    %add3A_346 = arith.addf %add3A_318, %mul3A_345 : vector<128x128xf32>
    %get3A_347 = arith.constant 12 : index
    %get3A_348 = arith.constant 0 : index
    %get3A_349 = vector.load %arg1[%get3A_347, %get3A_348] : memref<16x128xf32, #tpu.memory_space<vmem>>, vector<1x128xf32>
    %get3A_350 = arith.constant 12 : index
    %get3A_351 = arith.constant 0 : index
    %get3A_352 = vector.load %arg2[%get3A_350, %get3A_351] : memref<16x128xi32, #tpu.memory_space<vmem>>, vector<1x128xi32>
    %gt3A_353 = arith.constant 12 : i32
    %gt3A_354 = arith.cmpi sgt, %arg0, %gt3A_353 : i32
    %eq3A_355 = arith.constant 12 : i32
    %eq3A_356 = arith.cmpi eq, %arg0, %eq3A_355 : i32
    %select_n3A_357 = arith.select %eq3A_356, %convert_element_type3A_10, %broadcast_in_dim3A_14 : vector<128x128xf32>
    %select_n3A_358 = arith.select %gt3A_354, %broadcast_in_dim3A_12, %select_n3A_357 : vector<128x128xf32>
    %eq3A_359 = vector.broadcast %get3A_352 : vector<1x128xi32> to vector<128x128xi32>
    %eq3A_360 = arith.cmpi eq, %eq3A_359, %transpose3A_8 : vector<128x128xi32>
    %convert_element_type3A_361 = arith.extui %eq3A_360 : vector<128x128xi1> to vector<128x128xi32>
    %convert_element_type3A_362 = arith.sitofp %convert_element_type3A_361 : vector<128x128xi32> to vector<128x128xf32>
    %gt3A_363 = vector.broadcast %get3A_349 : vector<1x128xf32> to vector<128x128xf32>
    %gt3A_364 = arith.cmpf ogt, %gt3A_363, %transpose3A : vector<128x128xf32>
    %convert_element_type3A_365 = arith.extui %gt3A_364 : vector<128x128xi1> to vector<128x128xi32>
    %convert_element_type3A_366 = arith.sitofp %convert_element_type3A_365 : vector<128x128xi32> to vector<128x128xf32>
    %eq3A_367 = vector.broadcast %get3A_349 : vector<1x128xf32> to vector<128x128xf32>
    %eq3A_368 = arith.cmpf oeq, %eq3A_367, %transpose3A : vector<128x128xf32>
    %convert_element_type3A_369 = arith.extui %eq3A_368 : vector<128x128xi1> to vector<128x128xi32>
    %convert_element_type3A_370 = arith.sitofp %convert_element_type3A_369 : vector<128x128xi32> to vector<128x128xf32>
    %mul3A_371 = arith.mulf %convert_element_type3A_370, %select_n3A_358 : vector<128x128xf32>
    %add3A_372 = arith.addf %convert_element_type3A_366, %mul3A_371 : vector<128x128xf32>
    %mul3A_373 = arith.mulf %convert_element_type3A_362, %add3A_372 : vector<128x128xf32>
    %add3A_374 = arith.addf %add3A_346, %mul3A_373 : vector<128x128xf32>
    %get3A_375 = arith.constant 13 : index
    %get3A_376 = arith.constant 0 : index
    %get3A_377 = vector.load %arg1[%get3A_375, %get3A_376] : memref<16x128xf32, #tpu.memory_space<vmem>>, vector<1x128xf32>
    %get3A_378 = arith.constant 13 : index
    %get3A_379 = arith.constant 0 : index
    %get3A_380 = vector.load %arg2[%get3A_378, %get3A_379] : memref<16x128xi32, #tpu.memory_space<vmem>>, vector<1x128xi32>
    %gt3A_381 = arith.constant 13 : i32
    %gt3A_382 = arith.cmpi sgt, %arg0, %gt3A_381 : i32
    %eq3A_383 = arith.constant 13 : i32
    %eq3A_384 = arith.cmpi eq, %arg0, %eq3A_383 : i32
    %select_n3A_385 = arith.select %eq3A_384, %convert_element_type3A_10, %broadcast_in_dim3A_14 : vector<128x128xf32>
    %select_n3A_386 = arith.select %gt3A_382, %broadcast_in_dim3A_12, %select_n3A_385 : vector<128x128xf32>
    %eq3A_387 = vector.broadcast %get3A_380 : vector<1x128xi32> to vector<128x128xi32>
    %eq3A_388 = arith.cmpi eq, %eq3A_387, %transpose3A_8 : vector<128x128xi32>
    %convert_element_type3A_389 = arith.extui %eq3A_388 : vector<128x128xi1> to vector<128x128xi32>
    %convert_element_type3A_390 = arith.sitofp %convert_element_type3A_389 : vector<128x128xi32> to vector<128x128xf32>
    %gt3A_391 = vector.broadcast %get3A_377 : vector<1x128xf32> to vector<128x128xf32>
    %gt3A_392 = arith.cmpf ogt, %gt3A_391, %transpose3A : vector<128x128xf32>
    %convert_element_type3A_393 = arith.extui %gt3A_392 : vector<128x128xi1> to vector<128x128xi32>
    %convert_element_type3A_394 = arith.sitofp %convert_element_type3A_393 : vector<128x128xi32> to vector<128x128xf32>
    %eq3A_395 = vector.broadcast %get3A_377 : vector<1x128xf32> to vector<128x128xf32>
    %eq3A_396 = arith.cmpf oeq, %eq3A_395, %transpose3A : vector<128x128xf32>
    %convert_element_type3A_397 = arith.extui %eq3A_396 : vector<128x128xi1> to vector<128x128xi32>
    %convert_element_type3A_398 = arith.sitofp %convert_element_type3A_397 : vector<128x128xi32> to vector<128x128xf32>
    %mul3A_399 = arith.mulf %convert_element_type3A_398, %select_n3A_386 : vector<128x128xf32>
    %add3A_400 = arith.addf %convert_element_type3A_394, %mul3A_399 : vector<128x128xf32>
    %mul3A_401 = arith.mulf %convert_element_type3A_390, %add3A_400 : vector<128x128xf32>
    %add3A_402 = arith.addf %add3A_374, %mul3A_401 : vector<128x128xf32>
    %get3A_403 = arith.constant 14 : index
    %get3A_404 = arith.constant 0 : index
    %get3A_405 = vector.load %arg1[%get3A_403, %get3A_404] : memref<16x128xf32, #tpu.memory_space<vmem>>, vector<1x128xf32>
    %get3A_406 = arith.constant 14 : index
    %get3A_407 = arith.constant 0 : index
    %get3A_408 = vector.load %arg2[%get3A_406, %get3A_407] : memref<16x128xi32, #tpu.memory_space<vmem>>, vector<1x128xi32>
    %gt3A_409 = arith.constant 14 : i32
    %gt3A_410 = arith.cmpi sgt, %arg0, %gt3A_409 : i32
    %eq3A_411 = arith.constant 14 : i32
    %eq3A_412 = arith.cmpi eq, %arg0, %eq3A_411 : i32
    %select_n3A_413 = arith.select %eq3A_412, %convert_element_type3A_10, %broadcast_in_dim3A_14 : vector<128x128xf32>
    %select_n3A_414 = arith.select %gt3A_410, %broadcast_in_dim3A_12, %select_n3A_413 : vector<128x128xf32>
    %eq3A_415 = vector.broadcast %get3A_408 : vector<1x128xi32> to vector<128x128xi32>
    %eq3A_416 = arith.cmpi eq, %eq3A_415, %transpose3A_8 : vector<128x128xi32>
    %convert_element_type3A_417 = arith.extui %eq3A_416 : vector<128x128xi1> to vector<128x128xi32>
    %convert_element_type3A_418 = arith.sitofp %convert_element_type3A_417 : vector<128x128xi32> to vector<128x128xf32>
    %gt3A_419 = vector.broadcast %get3A_405 : vector<1x128xf32> to vector<128x128xf32>
    %gt3A_420 = arith.cmpf ogt, %gt3A_419, %transpose3A : vector<128x128xf32>
    %convert_element_type3A_421 = arith.extui %gt3A_420 : vector<128x128xi1> to vector<128x128xi32>
    %convert_element_type3A_422 = arith.sitofp %convert_element_type3A_421 : vector<128x128xi32> to vector<128x128xf32>
    %eq3A_423 = vector.broadcast %get3A_405 : vector<1x128xf32> to vector<128x128xf32>
    %eq3A_424 = arith.cmpf oeq, %eq3A_423, %transpose3A : vector<128x128xf32>
    %convert_element_type3A_425 = arith.extui %eq3A_424 : vector<128x128xi1> to vector<128x128xi32>
    %convert_element_type3A_426 = arith.sitofp %convert_element_type3A_425 : vector<128x128xi32> to vector<128x128xf32>
    %mul3A_427 = arith.mulf %convert_element_type3A_426, %select_n3A_414 : vector<128x128xf32>
    %add3A_428 = arith.addf %convert_element_type3A_422, %mul3A_427 : vector<128x128xf32>
    %mul3A_429 = arith.mulf %convert_element_type3A_418, %add3A_428 : vector<128x128xf32>
    %add3A_430 = arith.addf %add3A_402, %mul3A_429 : vector<128x128xf32>
    %get3A_431 = arith.constant 15 : index
    %get3A_432 = arith.constant 0 : index
    %get3A_433 = vector.load %arg1[%get3A_431, %get3A_432] : memref<16x128xf32, #tpu.memory_space<vmem>>, vector<1x128xf32>
    %get3A_434 = arith.constant 15 : index
    %get3A_435 = arith.constant 0 : index
    %get3A_436 = vector.load %arg2[%get3A_434, %get3A_435] : memref<16x128xi32, #tpu.memory_space<vmem>>, vector<1x128xi32>
    %gt3A_437 = arith.constant 15 : i32
    %gt3A_438 = arith.cmpi sgt, %arg0, %gt3A_437 : i32
    %eq3A_439 = arith.constant 15 : i32
    %eq3A_440 = arith.cmpi eq, %arg0, %eq3A_439 : i32
    %select_n3A_441 = arith.select %eq3A_440, %convert_element_type3A_10, %broadcast_in_dim3A_14 : vector<128x128xf32>
    %select_n3A_442 = arith.select %gt3A_438, %broadcast_in_dim3A_12, %select_n3A_441 : vector<128x128xf32>
    %eq3A_443 = vector.broadcast %get3A_436 : vector<1x128xi32> to vector<128x128xi32>
    %eq3A_444 = arith.cmpi eq, %eq3A_443, %transpose3A_8 : vector<128x128xi32>
    %convert_element_type3A_445 = arith.extui %eq3A_444 : vector<128x128xi1> to vector<128x128xi32>
    %convert_element_type3A_446 = arith.sitofp %convert_element_type3A_445 : vector<128x128xi32> to vector<128x128xf32>
    %gt3A_447 = vector.broadcast %get3A_433 : vector<1x128xf32> to vector<128x128xf32>
    %gt3A_448 = arith.cmpf ogt, %gt3A_447, %transpose3A : vector<128x128xf32>
    %convert_element_type3A_449 = arith.extui %gt3A_448 : vector<128x128xi1> to vector<128x128xi32>
    %convert_element_type3A_450 = arith.sitofp %convert_element_type3A_449 : vector<128x128xi32> to vector<128x128xf32>
    %eq3A_451 = vector.broadcast %get3A_433 : vector<1x128xf32> to vector<128x128xf32>
    %eq3A_452 = arith.cmpf oeq, %eq3A_451, %transpose3A : vector<128x128xf32>
    %convert_element_type3A_453 = arith.extui %eq3A_452 : vector<128x128xi1> to vector<128x128xi32>
    %convert_element_type3A_454 = arith.sitofp %convert_element_type3A_453 : vector<128x128xi32> to vector<128x128xf32>
    %mul3A_455 = arith.mulf %convert_element_type3A_454, %select_n3A_442 : vector<128x128xf32>
    %add3A_456 = arith.addf %convert_element_type3A_450, %mul3A_455 : vector<128x128xf32>
    %mul3A_457 = arith.mulf %convert_element_type3A_446, %add3A_456 : vector<128x128xf32>
    %add3A_458 = arith.addf %add3A_430, %mul3A_457 : vector<128x128xf32>
    %reduce_sum3A = arith.constant dense<0.000000e+00> : vector<128xf32>
    %reduce_sum3A_459 = vector.multi_reduction <add>, %add3A_458, %reduce_sum3A [1] : vector<128x128xf32> to vector<128xf32>
    %broadcast_in_dim3A_460 = vector.shape_cast %reduce_sum3A_459 : vector<128xf32> to vector<128x1xf32>
    %convert_element_type3A_461 = arith.fptosi %broadcast_in_dim3A_460 : vector<128x1xf32> to vector<128x1xi32>
    %lt3A = arith.constant 40 : i32
    %lt3A_462 = vector.broadcast %lt3A : i32 to vector<128x1xi32>
    %lt3A_463 = arith.cmpi slt, %convert_element_type3A_461, %lt3A_462 : vector<128x1xi32>
    %slice3A = vector.extract_strided_slice %transpose3A_8 {offsets = [0, 0], sizes = [128, 1], strides = [1, 1]} : vector<128x128xi32> to vector<128x1xi32>
    %mul3A_464 = arith.constant 40 : i32
    %mul3A_465 = vector.broadcast %mul3A_464 : i32 to vector<128x1xi32>
    %mul3A_466 = arith.muli %slice3A, %mul3A_465 : vector<128x1xi32>
    %add3A_467 = arith.addi %mul3A_466, %convert_element_type3A_461 : vector<128x1xi32>
    %jit3A = arith.constant 2560 : i32
    %broadcast_in_dim3A_468 = vector.broadcast %jit3A : i32 to vector<128x1xi32>
    %select_n3A_469 = arith.select %lt3A_463, %add3A_467, %broadcast_in_dim3A_468 : vector<128x1xi1>, vector<128x1xi32>
    %broadcast_in_dim3A_470 = vector.shape_cast %select_n3A_469 : vector<128x1xi32> to vector<128x1xi32>
    %broadcast_in_dim3A_471 = vector.broadcast %broadcast_in_dim3A_470 : vector<128x1xi32> to vector<128x128xi32>
    %transpose3A_472 = tpu.transpose %broadcast_in_dim3A_471, [1, 0] : vector<128x128xi32> -> vector<128x128xi32>
    %slice3A_473 = vector.extract_strided_slice %transpose3A_472 {offsets = [0, 0], sizes = [1, 128], strides = [1, 1]} : vector<128x128xi32> to vector<1x128xi32>
    %reshape3A = vector.shape_cast %slice3A_473 : vector<1x128xi32> to vector<1x1x128xi32>
    %swap3A = arith.constant 0 : index
    %swap3A_474 = arith.constant 0 : index
    %swap3A_475 = arith.constant 0 : index
    %swap3A_476 = vector.load %arg3[%swap3A, %swap3A_474, %swap3A_475] : memref<1x1x128xi32, #tpu.memory_space<vmem>>, vector<1x1x128xi32>
    tpu.vector_store %arg3[%swap3A, %swap3A_474, %swap3A_475], %reshape3A {strides = array<i32>} : memref<1x1x128xi32, #tpu.memory_space<vmem>>, vector<1x1x128xi32>,
    return
  }
  func.func @transform_0(%arg0: i32) -> (i32, i32) {
    %c0_i32 = arith.constant 0 : i32
    %c0_i32_0 = arith.constant 0 : i32
    %c0_i32_1 = arith.constant 0 : i32
    return %c0_i32, %c0_i32_0 : i32, i32
  }
  func.func @transform_1(%arg0: i32) -> (i32, i32) {
    %c0_i32 = arith.constant 0 : i32
    %c0_i32_0 = arith.constant 0 : i32
    %c0_i32_1 = arith.constant 0 : i32
    return %c0_i32, %c0_i32_0 : i32, i32
  }
  func.func @transform_2(%arg0: i32) -> (i32, i32, i32) {
    %c0_i32 = arith.constant 0 : i32
    %c0_i32_0 = arith.constant 0 : i32
    %c0_i32_1 = arith.constant 0 : i32
    return %arg0, %c0_i32, %c0_i32_0 : i32, i32, i32
  }
}

module attributes {stable_mosaic.version = 14 : i64} {
  func.func @_ffn_block(%arg0: i32, %arg1: memref<40x768xf32, #tpu.memory_space<vmem>>, %arg2: memref<1x1024x768xf32, #tpu.memory_space<vmem>>, %arg3: memref<1x1024x768xf32, #tpu.memory_space<vmem>>, %arg4: memref<1x768x1024xf32, #tpu.memory_space<vmem>>, %arg5: memref<40x768xf32, #tpu.memory_space<vmem>>) attributes {dimension_semantics = [#tpu.dimension_semantics<arbitrary>], iteration_bounds = array<i64: 65>, scalar_prefetch = 0 : i64, scratch_operands = 0 : i64, tpu.core_type = #tpu.core_type<tc>, window_params = [{transform_indices = @transform_0, window_bounds = array<i64: 40, 768>}, {transform_indices = @transform_1, window_bounds = array<i64: 1, 1024, 768>}, {transform_indices = @transform_2, window_bounds = array<i64: 1, 1024, 768>}, {transform_indices = @transform_3, window_bounds = array<i64: 1, 768, 1024>}, {transform_indices = @transform_4, window_bounds = array<i64: 40, 768>}]} {
    %get3A = arith.constant 0 : index
    %get3A_0 = arith.constant 0 : index
    %get3A_1 = vector.load %arg1[%get3A, %get3A_0] : memref<40x768xf32, #tpu.memory_space<vmem>>, vector<40x768xf32>
    %transpose3A = tpu.transpose %get3A_1, [1, 0] : vector<40x768xf32> -> vector<768x40xf32>
    %convert_element_type3A = arith.truncf %transpose3A : vector<768x40xf32> to vector<768x40xbf16>
    %get3A_2 = arith.constant 0 : index
    %get3A_3 = arith.constant 0 : index
    %get3A_4 = arith.constant 0 : index
    %get3A_5 = vector.load %arg2[%get3A_2, %get3A_3, %get3A_4] : memref<1x1024x768xf32, #tpu.memory_space<vmem>>, vector<1x1024x768xf32>
    %get3A_6 = vector.shape_cast %get3A_5 : vector<1x1024x768xf32> to vector<1024x768xf32>
    %convert_element_type3A_7 = arith.truncf %get3A_6 : vector<1024x768xf32> to vector<1024x768xbf16>
    %get3A_8 = arith.constant 0 : index
    %get3A_9 = arith.constant 0 : index
    %get3A_10 = arith.constant 0 : index
    %get3A_11 = vector.load %arg3[%get3A_8, %get3A_9, %get3A_10] : memref<1x1024x768xf32, #tpu.memory_space<vmem>>, vector<1x1024x768xf32>
    %get3A_12 = vector.shape_cast %get3A_11 : vector<1x1024x768xf32> to vector<1024x768xf32>
    %convert_element_type3A_13 = arith.truncf %get3A_12 : vector<1024x768xf32> to vector<1024x768xbf16>
    %get3A_14 = arith.constant 0 : index
    %get3A_15 = arith.constant 0 : index
    %get3A_16 = arith.constant 0 : index
    %get3A_17 = vector.load %arg4[%get3A_14, %get3A_15, %get3A_16] : memref<1x768x1024xf32, #tpu.memory_space<vmem>>, vector<1x768x1024xf32>
    %get3A_18 = vector.shape_cast %get3A_17 : vector<1x768x1024xf32> to vector<768x1024xf32>
    %convert_element_type3A_19 = arith.truncf %get3A_18 : vector<768x1024xf32> to vector<768x1024xbf16>
    %dot_general3A = arith.constant dense<0.000000e+00> : vector<1024x40xf32>
    %dot_general3A_20 = tpu.matmul %convert_element_type3A_7, %convert_element_type3A, %dot_general3A {dimension_numbers = #tpu.dot_dimension_numbers<[1], [0], [0], [1], [0, 0, 1, 1], [], []>, transpose_lhs_hint = false} : vector<1024x768xbf16>, vector<768x40xbf16>, vector<1024x40xf32> -> vector<1024x40xf32>
    %dot_general3A_21 = arith.constant dense<0.000000e+00> : vector<1024x40xf32>
    %dot_general3A_22 = tpu.matmul %convert_element_type3A_13, %convert_element_type3A, %dot_general3A_21 {dimension_numbers = #tpu.dot_dimension_numbers<[1], [0], [0], [1], [0, 0, 1, 1], [], []>, transpose_lhs_hint = false} : vector<1024x768xbf16>, vector<768x40xbf16>, vector<1024x40xf32> -> vector<1024x40xf32>
    %mul3A = arith.mulf %dot_general3A_20, %dot_general3A_22 : vector<1024x40xf32>
    %neg3A = arith.constant 0.000000e+00 : f32
    %neg3A_23 = vector.broadcast %neg3A : f32 to vector<1024x40xf32>
    %neg3A_24 = arith.subf %neg3A_23, %dot_general3A_22 : vector<1024x40xf32>
    %exp3A = math.exp %neg3A_24 : vector<1024x40xf32>
    %add3A = arith.constant 1.000000e+00 : f32
    %add3A_25 = vector.broadcast %add3A : f32 to vector<1024x40xf32>
    %add3A_26 = arith.addf %add3A_25, %exp3A : vector<1024x40xf32>
    %div3A = arith.constant 1.000000e+00 : f32
    %div3A_27 = vector.broadcast %div3A : f32 to vector<1024x40xf32>
    %div3A_28 = arith.divf %div3A_27, %add3A_26 : vector<1024x40xf32>
    %mul3A_29 = arith.mulf %mul3A, %div3A_28 : vector<1024x40xf32>
    %convert_element_type3A_30 = arith.truncf %mul3A_29 : vector<1024x40xf32> to vector<1024x40xbf16>
    %dot_general3A_31 = arith.constant dense<0.000000e+00> : vector<768x40xf32>
    %dot_general3A_32 = tpu.matmul %convert_element_type3A_19, %convert_element_type3A_30, %dot_general3A_31 {dimension_numbers = #tpu.dot_dimension_numbers<[1], [0], [0], [1], [0, 0, 1, 1], [], []>, transpose_lhs_hint = false} : vector<768x1024xbf16>, vector<1024x40xbf16>, vector<768x40xf32> -> vector<768x40xf32>
    %lt3A = arith.constant 64 : i32
    %lt3A_33 = arith.cmpi slt, %arg0, %lt3A : i32
    %transpose3A_34 = tpu.transpose %dot_general3A_32, [1, 0] : vector<768x40xf32> -> vector<40x768xf32>
    %jit3A = arith.constant 0.000000e+00 : f32
    %broadcast_in_dim3A = vector.broadcast %jit3A : f32 to vector<40x768xf32>
    %select_n3A = arith.select %lt3A_33, %transpose3A_34, %broadcast_in_dim3A : vector<40x768xf32>
    %swap3A = arith.constant 0 : index
    %swap3A_35 = arith.constant 0 : index
    %swap3A_36 = vector.load %arg5[%swap3A, %swap3A_35] : memref<40x768xf32, #tpu.memory_space<vmem>>, vector<40x768xf32>
    tpu.vector_store %arg5[%swap3A, %swap3A_35], %select_n3A {strides = array<i32>} : memref<40x768xf32, #tpu.memory_space<vmem>>, vector<40x768xf32>,
    return
  }
  func.func @transform_0(%arg0: i32) -> (i32, i32) {
    %min3A = arith.constant 63 : i32
    %min3A_0 = arith.minsi %arg0, %min3A : i32
    %c0_i32 = arith.constant 0 : i32
    %c0_i32_1 = arith.constant 0 : i32
    return %min3A_0, %c0_i32 : i32, i32
  }
  func.func @transform_1(%arg0: i32) -> (i32, i32, i32) {
    %min3A = arith.constant 63 : i32
    %min3A_0 = arith.minsi %arg0, %min3A : i32
    %c0_i32 = arith.constant 0 : i32
    %c0_i32_1 = arith.constant 0 : i32
    %c0_i32_2 = arith.constant 0 : i32
    return %min3A_0, %c0_i32, %c0_i32_1 : i32, i32, i32
  }
  func.func @transform_2(%arg0: i32) -> (i32, i32, i32) {
    %min3A = arith.constant 63 : i32
    %min3A_0 = arith.minsi %arg0, %min3A : i32
    %c0_i32 = arith.constant 0 : i32
    %c0_i32_1 = arith.constant 0 : i32
    %c0_i32_2 = arith.constant 0 : i32
    return %min3A_0, %c0_i32, %c0_i32_1 : i32, i32, i32
  }
  func.func @transform_3(%arg0: i32) -> (i32, i32, i32) {
    %min3A = arith.constant 63 : i32
    %min3A_0 = arith.minsi %arg0, %min3A : i32
    %c0_i32 = arith.constant 0 : i32
    %c0_i32_1 = arith.constant 0 : i32
    %c0_i32_2 = arith.constant 0 : i32
    return %min3A_0, %c0_i32, %c0_i32_1 : i32, i32, i32
  }
  func.func @transform_4(%arg0: i32) -> (i32, i32) {
    %c0_i32 = arith.constant 0 : i32
    %c0_i32_0 = arith.constant 0 : i32
    return %arg0, %c0_i32 : i32, i32
  }
}

</mosaic_0001>

<sc_bundles>
// kernel: kernel.6.cloned.1.call-start
scs
__scs_entry_jumppad:
0x0: {  	(pc) =	sbr.rel $0x88, $3  }
0x1: {  	(tag) =	ssettag $0x0;
	lr =	simm.s32 $0x1  }
0x2: {  	[smem:$0x3F9C] =	sst lr;
	_ =	strace $0xD0000000  }
0x3: {  	_ = 	snop  }
0x4: {  	_ = 	snop  }
0x5: {  	_ = 	snop  }
0x6: {  	_ = 	snop  }
0x7: {  	_ = 	snop  }
__scs_overlays_trampoline_lowered:
0x8: {  	[smem:$0x3FAB] =	sst s0  }
0x9: {  	[smem:$0x3FAC] =	sst s1  }
0xa: {  	[smem:$0x3FAD] =	sst s2  }
0xb: {  	[smem:$0x3FAE] =	sst s3  }
0xc: {  	[smem:$0x3FAF] =	sst s4  }
0xd: {  	[smem:$0x3FB0] =	sst s5  }
0xe: {  	[smem:$0x3FB1] =	sst s6  }
0xf: {  	[smem:$0x3FB2] =	sst s7  }
0x10: {  	[smem:$0x3FB3] =	sst s8  }
0x11: {  	[smem:$0x3FB4] =	sst s9;
	s0 =	simm.s32 @!p0 $0x0  }
0x12: {  	s1 =	sld [smem:$0x3F9A];
	s0 =	simm.s32 @p0 $0x1  }
0x13: {  	[smem:$0x3FB5] =	sst s0;
	s0 =	simm.s32 @!p1 $0x0  }
0x14: {  	s2 =	sld [smem:$0x3F99];
	s0 =	simm.s32 @p1 $0x1  }
0x15: {  	[smem:$0x3FB6] =	sst s0;
	s0 =	simm.s32 @!p2 $0x0  }
0x16: {  	s3 =	sld [smem:$0x3FDB];
	s0 =	simm.s32 @p2 $0x1  }
0x17: {  	s4 =	simm.s32 $0x1BF5;
	[smem:$0x3FB8] =	sst s0  }
0x18: {  	s0 =	sld [smem:$0x3F9B];
	_ =	swait.ge [sflag:s4], $0x0  }
0x19: {  	s7 =	sld [smem:$0x3F9C]  }
0x1a: {  	s8 =	sadd.s32 $0xFFFFE003, lr  }
0x1b: {  	s9 =	sadd.s32 $0xFFFFFEF7, lr;
	s5 =	simm.s32 $0xFFFFFFFF;
	p2 =	slt.u32 s8, $0xFFFFF086  }
0x1c: {  	p1 =	slt.u32 s9, $0xF7A;
	s5 =	simm.s32 @!p2 $0x0  }
0x1d: {  	s5 =	simm.s32 @p1 $0x1;
	p0 =	seq.s32 s7, s2  }
0x1e: {  	s7 =	smul.u32 @!p0 $0xF7A, s2;
	p2 =	seq.s32 @!p0 s5, $0x0  }
0x1f: {  	s9 =	smul.u32 $0xF7A, s1;
	s8 =	simm.s32 @!p0 $0x1BF5;
	p2 =	por !p2, p0  }
0x20: {  	[sflag:s8] =	ssyncset.s32 @!p0 $0xFFFFF086;
	s6 =	sadd.s32 @!p0 s3, s7;
	s7 =	simm.s32 @!p0 $0x108  }
0x21: {  	s3 =	sadd.s32 s3, s9;
	s6 =	sadd.s32 @!p0 $0x88, s6;
	s7 =	simm.s32 @p2 $0x1082  }
0x22: {  	[simem:s7], [sflag:s8] =	dma.local @!p0 [hbm:s6], $0xF7A  }
0x23: {  	s9 =	sor.u32 $0xD0000000, s2;
	s6 =	simm.s32 $0x108;
	_ =	swait.ge @!p0 [sflag:s8], $0x0  }
0x24: {  	s3 =	sadd.s32 $0x88, s3;
	s6 =	simm.s32 @!p1 $0x1082;
	[sflag:s4] =	ssyncset.s32 $0xFFFFF086  }
0x25: {  	[simem:s6], [sflag:s4] =	dma.local [hbm:s3], $0xF7A  }
0x26: {  	[smem:$0x3F9C] =	sst s1;
	(tag) =	ssettag s2;
	_ =	strace s9  }
0x27: {  	s1 =	sld [smem:$0x3FAC]  }
0x28: {  	s2 =	sld [smem:$0x3FAD]  }
0x29: {  	s4 =	sld [smem:$0x3FAF]  }
0x2a: {  	p0 =	seq.s32 s5, $0x0;
	s5 =	sld [smem:$0x3FB0]  }
0x2b: {  	s6 =	sld [smem:$0x3FB1]  }
0x2c: {  	s7 =	sld [smem:$0x3FB2]  }
0x2d: {  	s3 =	simm.s32 $0x108;
	s8 =	sld [smem:$0x3FB3]  }
0x2e: {  	s3 =	simm.s32 @!p0 $0x1082;
	s9 =	sld [smem:$0x3FB4]  }
0x2f: {  	lr =	sadd.s32 s0, s3;
	s0 =	sld [smem:$0x3FAB]  }
0x30: {  	s3 =	sld [smem:$0x3FAE]  }
0x31: {  	[smem:$0x3FB7] =	sst s10  }
0x32: {  	s10 =	sld [smem:$0x3FB5];
	_ =	sdelay $0x3  }
0x33: {  	p0 =	seq.s32 s10, $0x1;
	s10 =	sld [smem:$0x3FB7];
	_ =	sdelay $0x3  }
0x34: {  	[smem:$0x3FB7] =	sst s10  }
0x35: {  	s10 =	sld [smem:$0x3FB6];
	_ =	sdelay $0x3  }
0x36: {  	p1 =	seq.s32 s10, $0x1;
	s10 =	sld [smem:$0x3FB7];
	_ =	sdelay $0x3  }
0x37: {  	[smem:$0x3FB7] =	sst s10  }
0x38: {  	s10 =	sld [smem:$0x3FB8]  }
0x39: {  	_ = 	snop;
	(pc) =	sbr.ind lr, $3  }
0x3a: {  	_ = 	snop  }
0x3b: {  	_ = 	snop  }
0x3c: {  	p2 =	seq.s32 s10, $0x1;
	s10 =	sld [smem:$0x3FB7]  }
0x3d: {  	_ =	shalt  }
0x3e: {  	_ =	shalt  }
0x3f: {  	_ =	shalt  }
0x40: {  	_ =	shalt  }
0x41: {  	_ =	shalt  }
0x42: {  	_ =	shalt  }
0x43: {  	_ =	shalt  }
0x44: {  	_ =	shalt  }
0x45: {  	_ =	shalt  }
0x46: {  	_ =	shalt  }
0x47: {  	_ =	shalt  }
0x48: {  	_ =	shalt  }
0x49: {  	_ =	shalt  }
0x4a: {  	_ =	shalt  }
0x4b: {  	_ =	shalt  }
0x4c: {  	_ =	shalt  }
0x4d: {  	_ =	shalt  }
0x4e: {  	_ =	shalt  }
0x4f: {  	_ =	shalt  }
0x50: {  	_ =	shalt  }
0x51: {  	_ =	shalt  }
0x52: {  	_ =	shalt  }
0x53: {  	_ =	shalt  }
0x54: {  	_ =	shalt  }
0x55: {  	_ =	shalt  }
0x56: {  	_ =	shalt  }
0x57: {  	_ =	shalt  }
0x58: {  	_ =	shalt  }
0x59: {  	_ =	shalt  }
0x5a: {  	_ =	shalt  }
0x5b: {  	_ =	shalt  }
0x5c: {  	_ =	shalt  }
0x5d: {  	_ =	shalt  }
0x5e: {  	_ =	shalt  }
0x5f: {  	_ =	shalt  }
0x60: {  	_ =	shalt  }
0x61: {  	_ =	shalt  }
0x62: {  	_ =	shalt  }
0x63: {  	_ =	shalt  }
0x64: {  	_ =	shalt  }
0x65: {  	_ =	shalt  }
0x66: {  	_ =	shalt  }
0x67: {  	_ =	shalt  }
0x68: {  	_ =	shalt  }
0x69: {  	_ =	shalt  }
0x6a: {  	_ =	shalt  }
0x6b: {  	_ =	shalt  }
0x6c: {  	_ =	shalt  }
0x6d: {  	_ =	shalt  }
0x6e: {  	_ =	shalt  }
0x6f: {  	_ =	shalt  }
0x70: {  	_ =	shalt  }
0x71: {  	_ =	shalt  }
0x72: {  	_ =	shalt  }
0x73: {  	_ =	shalt  }
0x74: {  	_ =	shalt  }
0x75: {  	_ =	shalt  }
0x76: {  	_ =	shalt  }
0x77: {  	_ =	shalt  }
0x78: {  	_ =	shalt  }
0x79: {  	_ =	shalt  }
0x7a: {  	_ =	shalt  }
0x7b: {  	_ =	shalt  }
0x7c: {  	_ =	shalt  }
0x7d: {  	_ =	shalt  }
0x7e: {  	_ =	shalt  }
0x7f: {  	_ =	shalt  }
0x80: {  	_ =	shalt  }
0x81: {  	_ =	shalt  }
0x82: {  	_ =	shalt  }
0x83: {  	_ =	shalt  }
0x84: {  	_ =	shalt  }
0x85: {  	_ =	shalt  }
0x86: {  	_ =	shalt  }
0x87: {  	_ =	shalt  }
.Lfunc_end0:
.L_simem_size_0:
called_computation_lowered:
.L_overlay_start_0:
0x88: {  	s2 =	sld [smem:$0x3FD9]  }
0x89: {  	s3 =	sld [smem:$0x3FFE];
	_ =	sdelay $0x1  }
0x8a: {  	s1 =	srdreg.scid  }
0x8b: {  	s0 =	sand.u32 $0x1, s1  }
0x8c: {  	s17 =	sshll.u32 s0, $0xA;
	s2 =	sadd.s32 s3, s2  }
0x8d: {  	s2 =	sadd.s32 s2, s17  }
0x8e: {  	[smem:$0x3FC3] =	sst s2  }
0x8f: {  	_ = 	snop  }
0x90: {  	s2 =	sld [smem:$0x3FC9];
	(tm) =	ssettm $0x1  }
0x91: {  	s18 =	sld [smem:$0x3FFB];
	_ =	sdelay $0x3  }
0x92: {  	_ =	strace s18  }
0x93: {  	s3 =	sld [smem:$0x3FFC];
	_ =	sdelay $0x3  }
0x94: {  	_ =	strace s3  }
0x95: {  	s3 =	sld [smem:$0x3FFD];
	_ =	sdelay $0x3  }
0x96: {  	_ =	strace s3  }
0x97: {  	_ =	strace $0x8FFFFFFF  }
0x98: {  	s19 =	sld [smem:$0x3FDB];
	_ =	sdelay $0x1  }
0x99: {  	s4 =	simm.s32 $_scs_section_size  }
0x9a: {  	s5 =	simm.s32 $_size__tile_overlayer_lowered;
	s6 =	simm.s32 $_tile_overlayer_lowered  }
0x9b: {  	s22 =	simm.s32 $0x1BFF;
	s21 =	sshll.u32 s6, $0x1;
	s3 =	sadd.s32 s4, s19  }
0x9c: {  	s7 =	simm.s32 $0x0;
	s20 =	sshll.u32 s5, $0x1;
	s5 =	sadd.s32 s21, s3  }
0x9d: {  	[timem:s7], [sflag:s22] =	dma.local [hbm:s5], s20  }
0x9e: {  	_ =	swait.ge [sflag:s22], s20  }
0x9f: {  	s4 =	ssub.s32 $0x0, s20;
	[sflag:s22] =	ssyncset.done $0x0  }
0xa0: {  	[sflag:s22] =	ssyncadd.s32 s4;
	_ =	sdelay $0x1  }
0xa1: {  	s23 =	simm.s32 $0x1B8B  }
0xa2: {  	_ =	swait.ge [sflag:s23], $0x1  }
0xa3: {  	[sflag:s23] =	ssyncset.done $0x0  }
0xa4: {  	s25 =	simm.s32 $0x1B8E;
	s24 =	sld [smem:$0x3FFE];
	[sflag:s23] =	ssyncadd.s32 $0xFFFFFFFF  }
0xa5: {  	s26 =	simm.s32 $execute0_lowered;
	[smem:$0x3FD2] =	sst s25  }
0xa6: {  	s5 =	sshll.u32 s26, $0x1;
	_ =	strace $0x80000046;
	[dreg:$0x1] =	wrdreg $0xFFFFFFFF  }
0xa7: {  	s28 =	simm.s32 $_size_execute0_lowered;
	s3 =	sadd.s32 s3, s5;
	[dreg:$0x0] =	wrdreg $0x0  }
0xa8: {  	s5 =	sshll.u32 s28, $0x1;
	[dreg:$0x2] =	wrdreg s3  }
0xa9: {  	[dreg:$0x3] =	wrdreg s5  }
0xaa: {  	[dreg:$0x4] =	wrdreg $0xC0  }
0xab: {  	_ =	task [dreg:s7], $0x5FFFF  }
0xac: {  	[dreg:$0x1] =	wrdreg $0xFFFFFFFF  }
0xad: {  	[dreg:$0x0] =	wrdreg $0x60  }
0xae: {  	[dreg:$0x2] =	wrdreg s2  }
0xaf: {  	[dreg:$0x3] =	wrdreg s24  }
0xb0: {  	[dreg:$0x4] =	wrdreg $0x9  }
0xb1: {  	_ =	task.clear_ibuf [dreg:s7], $0x5FFFF;
	_ =	strace $0x90000046  }
0xb2: {  	s29 =	simm.s32 $0x9;
	_ =	strace $0x80000048  }
0xb3: {  	_ =	swait.ge [sflag:s29], $0x1  }
0xb4: {  	[sflag:s29] =	ssyncadd.s32 $0xFFFFFFFF  }
0xb5: {  	_ =	strace $0x90000048  }
0xb6: {  	_ =	sfence  }
0xb7: {  	s30 =	sld [smem:$0x0];
	_ =	sdelay $0x2  }
0xb8: {  	s31 =	sshll.u32 s1, $0xD;
	s1 =	sshrl.u32 s1, $0x2  }
0xb9: {  	s3 =	sand.u32 $0x4000, s31;
	s1 =	sadd.s32 s1, s30  }
0xba: {  	s0 =	sor.u32 s3, s0;
	s1 =	sshll.u32 s1, $0x11  }
0xbb: {  	s0 =	sor.u32 s1, s0  }
0xbc: {  	s0 =	sadd.s32 $0x8F2B, s0  }
0xbd: {  	[sflag:s0] =	ssyncadd.remote.s32 $0x1  }
0xbe: {  	_ =	sfence.sel $0xFFFF  }
0xbf: {  	[dreg:$0x0] =	wrdreg $0xFFFFFFFF;
	(pc) =	sbr.abs _section_cstart, $3  }
0xc0: {  	[dreg:$0x1] =	wrdreg $0xFFFFFFFF  }
0xc1: {  	_ =	task.clear_ibuf [dreg:s7], $0x2FFFF;
	_ =	strace $0x9FFFFFFF  }
0xc2: {  	(tm) =	ssettm $0x7FFFFFFF  }
0xc3: {  	_ =	shalt  }
tec
execute0_lowered:
.L_overlay_start_1:
0x0: {  	(tag) =	ssettag $0x1  }
0x1: {  	s1 =	srdreg.scid;
	s3 =	rddreg [dreg:$0x0]  }
0x2: {  	s0 =	stileid.u32;
	s5 =	rddreg [dreg:$0x1];
	s2 =	simm.s32 $0x0  }
0x3: {  	s8 =	simm.s32 $0x80;
	s26 =	simm.s32 $0x880;
	s9 =	simm.s32 $0x1080  }
0x4: {  	s10 =	simm.s32 $0x1880;
	s11 =	simm.s32 $0x2080;
	s12 =	simm.s32 $0x2880  }
0x5: {  	s13 =	simm.s32 $0x3080;
	s14 =	simm.s32 $0x3880;
	s15 =	simm.s32 $0x4080  }
0x6: {  	s16 =	simm.s32 $0x4880;
	s17 =	simm.s32 $0x5080;
	s18 =	simm.s32 $0x5880  }
0x7: {  	s19 =	simm.s32 $0x6080;
	s20 =	simm.s32 $0x6880;
	s21 =	simm.s32 $0x7080  }
0x8: {  	s22 =	simm.s32 $0x7880;
	s23 =	simm.s32 $0x8080;
	s24 =	simm.s32 $0x8880  }
0x9: {  	s28 =	simm.s32 $0xA080;
	s29 =	simm.s32 $0xA880;
	s30 =	simm.s32 $0xB080  }
0xa: {  	s31 =	simm.s32 $0xB880;
	s1 =	sand.u32 $0x1, s1;
	[smem:$0x7FF] =	sst s2  }
0xb: {  	s4 =	sshll.u32 s0, $0x4;
	s6 =	sshll.u32 s1, $0x3;
	_ =	strace $0x80000047  }
0xc: {  	s1 =	ssub.s32 $0x2, s1;
	[dreg:$0x5] =	wrdreg s26;
	s4 =	sor.u32 s6, s4  }
0xd: {  	s26 =	simm.s32 $0x9880;
	s7 =	sshrl.u32 s1, $0x1;
	s6 =	smul.u32 $0x300, s4  }
0xe: {  	s4 =	sadd.s32 s5, s4;
	s1 =	ssub.s32 s1, s7;
	s7 =	simm.s32 $0x2  }
0xf: {  	v2 =	vlaneseq.u32;
	[dreg:$0x3] =	wrdreg s4;
	s4 =	sadd.s32 $0x300, s5;
	s25 =	sadd.s32 s3, s6  }
0x10: {  	vm0 =	vmmov $0xffff;
	v1 =	vshrl.u32 v2, $0x3;
	s3 =	sadd.s32 $0x200, s5;
	s5 =	sadd.s32 $0x400, s5;
	s6 =	smax.u32 s1, $0x1  }
0x11: {  	v0 =	vand.u32 $0x7, v2;
	v2 =	vor.u32 $0x8, v2;
	v1 =	vmul.u32 $0x8, v1;
	s1 =	simm.s32 $0x1;
	[dreg:$0x4] =	wrdreg s25;
	s25 =	simm.s32 $0x9080  }
.LBB2_1:
0x12: {  	s0 =	rddreg [dreg:$0x3]  }
0x13: {  	[tilespmem:s2], [sflag:$0x2] =	stream.linear.gather [hbm4b:s0+s2], $0x40, $0x38;
	[tilespmem:$0xC080] =	vst v63  }
0x14: {  	_ =	swait.ge [sflag:s7], $0x40  }
0x15: {  	[sflag:s7] =	ssyncset.done $0x0  }
0x16: {  	s0 =	rddreg [dreg:$0x4];
	[sflag:s7] =	ssyncadd.s32 $0xFFFFFFC0  }
0x17: {  	[tilespmem:s8], [sflag:$0x2] =	stream.linear.gather [hbm4b:s0+s2], $0xC000, $0x38;
	[tilespmem:$0xC080] =	vst v63  }
0x18: {  	_ =	swait.ge [sflag:s7], $0xC000  }
0x19: {  	[sflag:s7] =	ssyncset.done $0x0  }
0x1a: {  	[sflag:s7] =	ssyncadd.s32 $0xFFFF4000  }
0x1b: {  	v3 =	vld [tilespmem:$0x0];
	_ =	sdelay $0x4  }
0x1c: {  	v4 =	vshrl.u32 v3, $0x3  }
0x1d: {  	v4 =	vmul.u32 $0x30, v4  }
0x1e: {  	v3 =	vand.u32 $0x7, v3  }
0x1f: {  	v3 =	vor.u32 v3, v4  }
0x20: {  	v4 =	vperm.xlane v3, v0;
	_ =	sdelay $0x1  }
0x21: {  	v4 =	vadd.s32 v1, v4;
	_ =	sdelay $0x3  }
0x22: {  	v3 =	vperm.xlane v3, v2  }
0x23: {  	[hbm4b:s3+s2] =	stream.indirect_vreg.scatter [tilespmem:s8], [sflag:$0x1], $0x80, v4, vm0, $0xb8;
	[tilespmem:$0xC080] =	vst v63  }
0x24: {  	s0 =	rddreg [dreg:$0x5];
	v3 =	vadd.s32 v1, v3  }
0x25: {  	[hbm4b:s4+s2] =	stream.indirect_vreg.scatter [tilespmem:s0], [sflag:$0x1], $0x80, v4, vm0, $0xb8;
	[tilespmem:$0xC080] =	vst v63  }
0x26: {  	_ = 	snop  }
0x27: {  	[hbm4b:s5+s2] =	stream.indirect_vreg.scatter [tilespmem:s9], [sflag:$0x1], $0x80, v4, vm0, $0xb8;
	[tilespmem:$0xC080] =	vst v63  }
0x28: {  	_ = 	snop  }
0x29: {  	[hbm4b:s3+s2] =	stream.indirect_vreg.scatter [tilespmem:s10], [sflag:$0x1], $0x80, v3, vm0, $0xb8;
	[tilespmem:$0xC080] =	vst v63  }
0x2a: {  	_ = 	snop  }
0x2b: {  	[hbm4b:s4+s2] =	stream.indirect_vreg.scatter [tilespmem:s11], [sflag:$0x1], $0x80, v3, vm0, $0xb8;
	[tilespmem:$0xC080] =	vst v63  }
0x2c: {  	_ = 	snop  }
0x2d: {  	[hbm4b:s5+s2] =	stream.indirect_vreg.scatter [tilespmem:s12], [sflag:$0x1], $0x80, v3, vm0, $0xb8;
	[tilespmem:$0xC080] =	vst v63  }
0x2e: {  	v3 =	vld [tilespmem:$0x10];
	_ =	sdelay $0x4  }
0x2f: {  	v61 =	vshrl.u32 v3, $0x3  }
0x30: {  	v4 =	vmul.u32 $0x30, v61  }
0x31: {  	v3 =	vand.u32 $0x7, v3  }
0x32: {  	v3 =	vor.u32 v3, v4  }
0x33: {  	v4 =	vperm.xlane v3, v0;
	_ =	sdelay $0x1  }
0x34: {  	v4 =	vadd.s32 v1, v4;
	_ =	sdelay $0x3  }
0x35: {  	v3 =	vperm.xlane v3, v2  }
0x36: {  	[hbm4b:s3+s2] =	stream.indirect_vreg.scatter [tilespmem:s13], [sflag:$0x1], $0x80, v4, vm0, $0xb8;
	[tilespmem:$0xC080] =	vst v63  }
0x37: {  	v3 =	vadd.s32 v1, v3  }
0x38: {  	[hbm4b:s4+s2] =	stream.indirect_vreg.scatter [tilespmem:s14], [sflag:$0x1], $0x80, v4, vm0, $0xb8;
	[tilespmem:$0xC080] =	vst v63  }
0x39: {  	_ = 	snop  }
0x3a: {  	[hbm4b:s5+s2] =	stream.indirect_vreg.scatter [tilespmem:s15], [sflag:$0x1], $0x80, v4, vm0, $0xb8;
	[tilespmem:$0xC080] =	vst v63  }
0x3b: {  	_ = 	snop  }
0x3c: {  	[hbm4b:s3+s2] =	stream.indirect_vreg.scatter [tilespmem:s16], [sflag:$0x1], $0x80, v3, vm0, $0xb8;
	[tilespmem:$0xC080] =	vst v63  }
0x3d: {  	_ = 	snop  }
0x3e: {  	[hbm4b:s4+s2] =	stream.indirect_vreg.scatter [tilespmem:s17], [sflag:$0x1], $0x80, v3, vm0, $0xb8;
	[tilespmem:$0xC080] =	vst v63  }
0x3f: {  	_ = 	snop  }
0x40: {  	[hbm4b:s5+s2] =	stream.indirect_vreg.scatter [tilespmem:s18], [sflag:$0x1], $0x80, v3, vm0, $0xb8;
	[tilespmem:$0xC080] =	vst v63  }
0x41: {  	v3 =	vld [tilespmem:$0x20];
	_ =	sdelay $0x4  }
0x42: {  	v62 =	vshrl.u32 v3, $0x3  }
0x43: {  	v4 =	vmul.u32 $0x30, v62  }
0x44: {  	v3 =	vand.u32 $0x7, v3  }
0x45: {  	v3 =	vor.u32 v3, v4  }
0x46: {  	v4 =	vperm.xlane v3, v0;
	_ =	sdelay $0x1  }
0x47: {  	v4 =	vadd.s32 v1, v4;
	_ =	sdelay $0x3  }
0x48: {  	v3 =	vperm.xlane v3, v2  }
0x49: {  	[hbm4b:s3+s2] =	stream.indirect_vreg.scatter [tilespmem:s19], [sflag:$0x1], $0x80, v4, vm0, $0xb8;
	[tilespmem:$0xC080] =	vst v63  }
0x4a: {  	v3 =	vadd.s32 v1, v3  }
0x4b: {  	[hbm4b:s4+s2] =	stream.indirect_vreg.scatter [tilespmem:s20], [sflag:$0x1], $0x80, v4, vm0, $0xb8;
	[tilespmem:$0xC080] =	vst v63  }
0x4c: {  	_ = 	snop  }
0x4d: {  	[hbm4b:s5+s2] =	stream.indirect_vreg.scatter [tilespmem:s21], [sflag:$0x1], $0x80, v4, vm0, $0xb8;
	[tilespmem:$0xC080] =	vst v63  }
0x4e: {  	_ = 	snop  }
0x4f: {  	[hbm4b:s3+s2] =	stream.indirect_vreg.scatter [tilespmem:s22], [sflag:$0x1], $0x80, v3, vm0, $0xb8;
	[tilespmem:$0xC080] =	vst v63  }
0x50: {  	_ = 	snop  }
0x51: {  	[hbm4b:s4+s2] =	stream.indirect_vreg.scatter [tilespmem:s23], [sflag:$0x1], $0x80, v3, vm0, $0xb8;
	[tilespmem:$0xC080] =	vst v63  }
0x52: {  	_ = 	snop  }
0x53: {  	[hbm4b:s5+s2] =	stream.indirect_vreg.scatter [tilespmem:s24], [sflag:$0x1], $0x80, v3, vm0, $0xb8;
	[tilespmem:$0xC080] =	vst v63  }
0x54: {  	v3 =	vld [tilespmem:$0x30];
	_ =	sdelay $0x4  }
0x55: {  	v63 =	vshrl.u32 v3, $0x3  }
0x56: {  	v4 =	vmul.u32 $0x30, v63  }
0x57: {  	v3 =	vand.u32 $0x7, v3  }
0x58: {  	v3 =	vor.u32 v3, v4  }
0x59: {  	v4 =	vperm.xlane v3, v0;
	_ =	sdelay $0x1  }
0x5a: {  	v4 =	vadd.s32 v1, v4;
	_ =	sdelay $0x3  }
0x5b: {  	v3 =	vperm.xlane v3, v2  }
0x5c: {  	[hbm4b:s3+s2] =	stream.indirect_vreg.scatter [tilespmem:s25], [sflag:$0x1], $0x80, v4, vm0, $0xb8;
	[tilespmem:$0xC080] =	vst v63  }
0x5d: {  	v3 =	vadd.s32 v1, v3  }
0x5e: {  	[hbm4b:s4+s2] =	stream.indirect_vreg.scatter [tilespmem:s26], [sflag:$0x1], $0x80, v4, vm0, $0xb8;
	[tilespmem:$0xC080] =	vst v63  }
0x5f: {  	_ = 	snop  }
0x60: {  	[hbm4b:s5+s2] =	stream.indirect_vreg.scatter [tilespmem:s28], [sflag:$0x1], $0x80, v4, vm0, $0xb8;
	[tilespmem:$0xC080] =	vst v63  }
0x61: {  	_ = 	snop  }
0x62: {  	[hbm4b:s3+s2] =	stream.indirect_vreg.scatter [tilespmem:s29], [sflag:$0x1], $0x80, v3, vm0, $0xb8;
	[tilespmem:$0xC080] =	vst v63  }
0x63: {  	p0 =	sne.s32 s6, $0x1  }
0x64: {  	[hbm4b:s4+s2] =	stream.indirect_vreg.scatter [tilespmem:s30], [sflag:$0x1], $0x80, v3, vm0, $0xb8;
	[tilespmem:$0xC080] =	vst v63  }
.Ltmp0:
0x65: {  	_ = 	snop;
	(pc) =	sbr.rel @p0 .LBB2_1-.Ltmp0, $4  }
0x66: {  	[hbm4b:s5+s2] =	stream.indirect_vreg.scatter [tilespmem:s31], [sflag:$0x1], $0x80, v3, vm0, $0xb8;
	[tilespmem:$0xC080] =	vst v63  }
0x67: {  	_ =	swait.ge [sflag:s1], $0xC000  }
0x68: {  	[sflag:s1] =	ssyncset.done $0x0  }
0x69: {  	s6 =	sadd.s32 $0xFFFFFFFF, s6;
	[sflag:s1] =	ssyncadd.s32 $0xFFFF4000  }
0x6a: {  	_ =	sfence.sel $0x180000  }
0x6b: {  	[bflag:$0x0] =	sbarrier.arrive $0xFFFF  }
0x6c: {  	_ =	strace $0x90000047  }
0x6d: {  	s0 =	stileid.u32;
	[bflag:$0x2] =	sbarrier.arrive $0xFFFF  }
0x6e: {  	p0 =	sne.s32 s0, $0x0;
	s0 =	rddreg [dreg:$0x2]  }
0x6f: {  	s0 =	sadd.s32 @!p0 $0x100000, s0  }
0x70: {  	[sflag:s0] =	ssyncadd.tile.s32 @!p0 $0x1;
	_ =	shalt  }
.Lfunc_end2:
_tile_overlayer_lowered:
.L_overlay_start_2:
0x71: {  	(tag) =	ssettag $0x2  }
0x72: {  	s0 =	rddreg [dreg:$0x0];
	s2 =	stileid.u32  }
0x73: {  	s1 =	rddreg [dreg:$0x1];
	p0 =	sne.s32 s2, $0x0  }
0x74: {  	s3 =	rddreg [dreg:$0x2];
	[bflag:$0x3] =	sbarrier.arrive $0xFFFF;
	s2 =	simm.s32 @!p0 $0x1C02  }
0x75: {  	[timem:s3], [sflag:s2] =	dma.local @!p0 [hbm:s0], s1  }
0x76: {  	s0 =	simm.s32 @!p0 $0x2  }
0x77: {  	_ =	swait.ge @!p0 [sflag:s0], s1  }
0x78: {  	s1 =	ssub.s32 @!p0 $0x0, s1;
	[sflag:s0] =	ssyncset.done @!p0 $0x0  }
0x79: {  	[sflag:s0] =	ssyncadd.s32 @!p0 s1  }
0x7a: {  	[bflag:$0x3] =	sbarrier.arrive $0xFFFF  }
0x7b: {  	_ =	shalt  }

// kernel: kernel.9.cloned.1.call-start
scs
__scs_entry_jumppad:
0x0: {  	(pc) =	sbr.rel $0x88, $3  }
0x1: {  	(tag) =	ssettag $0x0;
	lr =	simm.s32 $0x1  }
0x2: {  	[smem:$0x3F9C] =	sst lr;
	_ =	strace $0xD0000000  }
0x3: {  	_ = 	snop  }
0x4: {  	_ = 	snop  }
0x5: {  	_ = 	snop  }
0x6: {  	_ = 	snop  }
0x7: {  	_ = 	snop  }
__scs_overlays_trampoline_lowered:
0x8: {  	[smem:$0x3FAB] =	sst s0  }
0x9: {  	[smem:$0x3FAC] =	sst s1  }
0xa: {  	[smem:$0x3FAD] =	sst s2  }
0xb: {  	[smem:$0x3FAE] =	sst s3  }
0xc: {  	[smem:$0x3FAF] =	sst s4  }
0xd: {  	[smem:$0x3FB0] =	sst s5  }
0xe: {  	[smem:$0x3FB1] =	sst s6  }
0xf: {  	[smem:$0x3FB2] =	sst s7  }
0x10: {  	[smem:$0x3FB3] =	sst s8  }
0x11: {  	[smem:$0x3FB4] =	sst s9;
	s0 =	simm.s32 @!p0 $0x0  }
0x12: {  	s1 =	sld [smem:$0x3F9A];
	s0 =	simm.s32 @p0 $0x1  }
0x13: {  	[smem:$0x3FB5] =	sst s0;
	s0 =	simm.s32 @!p1 $0x0  }
0x14: {  	s2 =	sld [smem:$0x3F99];
	s0 =	simm.s32 @p1 $0x1  }
0x15: {  	[smem:$0x3FB6] =	sst s0;
	s0 =	simm.s32 @!p2 $0x0  }
0x16: {  	s3 =	sld [smem:$0x3FDB];
	s0 =	simm.s32 @p2 $0x1  }
0x17: {  	s4 =	simm.s32 $0x1BF5;
	[smem:$0x3FB8] =	sst s0  }
0x18: {  	s0 =	sld [smem:$0x3F9B];
	_ =	swait.ge [sflag:s4], $0x0  }
0x19: {  	s7 =	sld [smem:$0x3F9C]  }
0x1a: {  	s8 =	sadd.s32 $0xFFFFE003, lr  }
0x1b: {  	s9 =	sadd.s32 $0xFFFFFEF7, lr;
	s5 =	simm.s32 $0xFFFFFFFF;
	p2 =	slt.u32 s8, $0xFFFFF086  }
0x1c: {  	p1 =	slt.u32 s9, $0xF7A;
	s5 =	simm.s32 @!p2 $0x0  }
0x1d: {  	s5 =	simm.s32 @p1 $0x1;
	p0 =	seq.s32 s7, s2  }
0x1e: {  	s7 =	smul.u32 @!p0 $0xF7A, s2;
	p2 =	seq.s32 @!p0 s5, $0x0  }
0x1f: {  	s9 =	smul.u32 $0xF7A, s1;
	s8 =	simm.s32 @!p0 $0x1BF5;
	p2 =	por !p2, p0  }
0x20: {  	[sflag:s8] =	ssyncset.s32 @!p0 $0xFFFFF086;
	s6 =	sadd.s32 @!p0 s3, s7;
	s7 =	simm.s32 @!p0 $0x108  }
0x21: {  	s3 =	sadd.s32 s3, s9;
	s6 =	sadd.s32 @!p0 $0x88, s6;
	s7 =	simm.s32 @p2 $0x1082  }
0x22: {  	[simem:s7], [sflag:s8] =	dma.local @!p0 [hbm:s6], $0xF7A  }
0x23: {  	s9 =	sor.u32 $0xD0000000, s2;
	s6 =	simm.s32 $0x108;
	_ =	swait.ge @!p0 [sflag:s8], $0x0  }
0x24: {  	s3 =	sadd.s32 $0x88, s3;
	s6 =	simm.s32 @!p1 $0x1082;
	[sflag:s4] =	ssyncset.s32 $0xFFFFF086  }
0x25: {  	[simem:s6], [sflag:s4] =	dma.local [hbm:s3], $0xF7A  }
0x26: {  	[smem:$0x3F9C] =	sst s1;
	(tag) =	ssettag s2;
	_ =	strace s9  }
0x27: {  	s1 =	sld [smem:$0x3FAC]  }
0x28: {  	s2 =	sld [smem:$0x3FAD]  }
0x29: {  	s4 =	sld [smem:$0x3FAF]  }
0x2a: {  	p0 =	seq.s32 s5, $0x0;
	s5 =	sld [smem:$0x3FB0]  }
0x2b: {  	s6 =	sld [smem:$0x3FB1]  }
0x2c: {  	s7 =	sld [smem:$0x3FB2]  }
0x2d: {  	s3 =	simm.s32 $0x108;
	s8 =	sld [smem:$0x3FB3]  }
0x2e: {  	s3 =	simm.s32 @!p0 $0x1082;
	s9 =	sld [smem:$0x3FB4]  }
0x2f: {  	lr =	sadd.s32 s0, s3;
	s0 =	sld [smem:$0x3FAB]  }
0x30: {  	s3 =	sld [smem:$0x3FAE]  }
0x31: {  	[smem:$0x3FB7] =	sst s10  }
0x32: {  	s10 =	sld [smem:$0x3FB5];
	_ =	sdelay $0x3  }
0x33: {  	p0 =	seq.s32 s10, $0x1;
	s10 =	sld [smem:$0x3FB7];
	_ =	sdelay $0x3  }
0x34: {  	[smem:$0x3FB7] =	sst s10  }
0x35: {  	s10 =	sld [smem:$0x3FB6];
	_ =	sdelay $0x3  }
0x36: {  	p1 =	seq.s32 s10, $0x1;
	s10 =	sld [smem:$0x3FB7];
	_ =	sdelay $0x3  }
0x37: {  	[smem:$0x3FB7] =	sst s10  }
0x38: {  	s10 =	sld [smem:$0x3FB8]  }
0x39: {  	_ = 	snop;
	(pc) =	sbr.ind lr, $3  }
0x3a: {  	_ = 	snop  }
0x3b: {  	_ = 	snop  }
0x3c: {  	p2 =	seq.s32 s10, $0x1;
	s10 =	sld [smem:$0x3FB7]  }
0x3d: {  	_ =	shalt  }
0x3e: {  	_ =	shalt  }
0x3f: {  	_ =	shalt  }
0x40: {  	_ =	shalt  }
0x41: {  	_ =	shalt  }
0x42: {  	_ =	shalt  }
0x43: {  	_ =	shalt  }
0x44: {  	_ =	shalt  }
0x45: {  	_ =	shalt  }
0x46: {  	_ =	shalt  }
0x47: {  	_ =	shalt  }
0x48: {  	_ =	shalt  }
0x49: {  	_ =	shalt  }
0x4a: {  	_ =	shalt  }
0x4b: {  	_ =	shalt  }
0x4c: {  	_ =	shalt  }
0x4d: {  	_ =	shalt  }
0x4e: {  	_ =	shalt  }
0x4f: {  	_ =	shalt  }
0x50: {  	_ =	shalt  }
0x51: {  	_ =	shalt  }
0x52: {  	_ =	shalt  }
0x53: {  	_ =	shalt  }
0x54: {  	_ =	shalt  }
0x55: {  	_ =	shalt  }
0x56: {  	_ =	shalt  }
0x57: {  	_ =	shalt  }
0x58: {  	_ =	shalt  }
0x59: {  	_ =	shalt  }
0x5a: {  	_ =	shalt  }
0x5b: {  	_ =	shalt  }
0x5c: {  	_ =	shalt  }
0x5d: {  	_ =	shalt  }
0x5e: {  	_ =	shalt  }
0x5f: {  	_ =	shalt  }
0x60: {  	_ =	shalt  }
0x61: {  	_ =	shalt  }
0x62: {  	_ =	shalt  }
0x63: {  	_ =	shalt  }
0x64: {  	_ =	shalt  }
0x65: {  	_ =	shalt  }
0x66: {  	_ =	shalt  }
0x67: {  	_ =	shalt  }
0x68: {  	_ =	shalt  }
0x69: {  	_ =	shalt  }
0x6a: {  	_ =	shalt  }
0x6b: {  	_ =	shalt  }
0x6c: {  	_ =	shalt  }
0x6d: {  	_ =	shalt  }
0x6e: {  	_ =	shalt  }
0x6f: {  	_ =	shalt  }
0x70: {  	_ =	shalt  }
0x71: {  	_ =	shalt  }
0x72: {  	_ =	shalt  }
0x73: {  	_ =	shalt  }
0x74: {  	_ =	shalt  }
0x75: {  	_ =	shalt  }
0x76: {  	_ =	shalt  }
0x77: {  	_ =	shalt  }
0x78: {  	_ =	shalt  }
0x79: {  	_ =	shalt  }
0x7a: {  	_ =	shalt  }
0x7b: {  	_ =	shalt  }
0x7c: {  	_ =	shalt  }
0x7d: {  	_ =	shalt  }
0x7e: {  	_ =	shalt  }
0x7f: {  	_ =	shalt  }
0x80: {  	_ =	shalt  }
0x81: {  	_ =	shalt  }
0x82: {  	_ =	shalt  }
0x83: {  	_ =	shalt  }
0x84: {  	_ =	shalt  }
0x85: {  	_ =	shalt  }
0x86: {  	_ =	shalt  }
0x87: {  	_ =	shalt  }
.Lfunc_end0:
.L_simem_size_0:
called_computation.1_lowered:
.L_overlay_start_0:
0x88: {  	s2 =	sld [smem:$0x3FD9]  }
0x89: {  	s3 =	sld [smem:$0x3FFE];
	_ =	sdelay $0x1  }
0x8a: {  	s1 =	srdreg.scid  }
0x8b: {  	s0 =	sand.u32 $0x1, s1  }
0x8c: {  	s17 =	sshll.u32 s0, $0xA;
	s2 =	sadd.s32 s3, s2  }
0x8d: {  	s2 =	sadd.s32 s2, s17  }
0x8e: {  	[smem:$0x3FC3] =	sst s2  }
0x8f: {  	_ = 	snop  }
0x90: {  	s2 =	sld [smem:$0x3FD0];
	(tm) =	ssettm $0x1  }
0x91: {  	s18 =	sld [smem:$0x3FFB];
	_ =	sdelay $0x3  }
0x92: {  	_ =	strace s18  }
0x93: {  	s3 =	sld [smem:$0x3FFC];
	_ =	sdelay $0x3  }
0x94: {  	_ =	strace s3  }
0x95: {  	s3 =	sld [smem:$0x3FFD];
	_ =	sdelay $0x3  }
0x96: {  	_ =	strace s3  }
0x97: {  	_ =	strace $0x8FFFFFFF  }
0x98: {  	s19 =	sld [smem:$0x3FDB];
	_ =	sdelay $0x1  }
0x99: {  	s4 =	simm.s32 $_scs_section_size  }
0x9a: {  	s5 =	simm.s32 $_size__tile_overlayer_lowered;
	s6 =	simm.s32 $_tile_overlayer_lowered  }
0x9b: {  	s22 =	simm.s32 $0x1BFF;
	s21 =	sshll.u32 s6, $0x1;
	s3 =	sadd.s32 s4, s19  }
0x9c: {  	s7 =	simm.s32 $0x0;
	s20 =	sshll.u32 s5, $0x1;
	s5 =	sadd.s32 s21, s3  }
0x9d: {  	[timem:s7], [sflag:s22] =	dma.local [hbm:s5], s20  }
0x9e: {  	_ =	swait.ge [sflag:s22], s20  }
0x9f: {  	s4 =	ssub.s32 $0x0, s20;
	[sflag:s22] =	ssyncset.done $0x0  }
0xa0: {  	[sflag:s22] =	ssyncadd.s32 s4;
	_ =	sdelay $0x1  }
0xa1: {  	s23 =	simm.s32 $0x1B8B  }
0xa2: {  	_ =	swait.ge [sflag:s23], $0x1  }
0xa3: {  	[sflag:s23] =	ssyncset.done $0x0  }
0xa4: {  	s25 =	simm.s32 $0x1B8E;
	s24 =	sld [smem:$0x3FFE];
	[sflag:s23] =	ssyncadd.s32 $0xFFFFFFFF  }
0xa5: {  	s26 =	simm.s32 $execute0_lowered;
	[smem:$0x3FD2] =	sst s25  }
0xa6: {  	s5 =	sshll.u32 s26, $0x1;
	_ =	strace $0x80000049;
	[dreg:$0x1] =	wrdreg $0xFFFFFFFF  }
0xa7: {  	s28 =	simm.s32 $_size_execute0_lowered;
	s3 =	sadd.s32 s3, s5;
	[dreg:$0x0] =	wrdreg $0x0  }
0xa8: {  	s5 =	sshll.u32 s28, $0x1;
	[dreg:$0x2] =	wrdreg s3  }
0xa9: {  	[dreg:$0x3] =	wrdreg s5  }
0xaa: {  	[dreg:$0x4] =	wrdreg $0xC0  }
0xab: {  	_ =	task [dreg:s7], $0x5FFFF  }
0xac: {  	[dreg:$0x1] =	wrdreg $0xFFFFFFFF  }
0xad: {  	[dreg:$0x0] =	wrdreg $0x60  }
0xae: {  	[dreg:$0x2] =	wrdreg s24  }
0xaf: {  	[dreg:$0x3] =	wrdreg s2  }
0xb0: {  	[dreg:$0x4] =	wrdreg $0x9  }
0xb1: {  	_ =	task.clear_ibuf [dreg:s7], $0x5FFFF;
	_ =	strace $0x90000049  }
0xb2: {  	s29 =	simm.s32 $0x9;
	_ =	strace $0x8000004B  }
0xb3: {  	_ =	swait.ge [sflag:s29], $0x1  }
0xb4: {  	[sflag:s29] =	ssyncadd.s32 $0xFFFFFFFF  }
0xb5: {  	_ =	strace $0x9000004B  }
0xb6: {  	_ =	sfence  }
0xb7: {  	s30 =	sld [smem:$0x0];
	_ =	sdelay $0x2  }
0xb8: {  	s31 =	sshll.u32 s1, $0xD;
	s1 =	sshrl.u32 s1, $0x2  }
0xb9: {  	s3 =	sand.u32 $0x4000, s31;
	s1 =	sadd.s32 s1, s30  }
0xba: {  	s0 =	sor.u32 s3, s0;
	s1 =	sshll.u32 s1, $0x11  }
0xbb: {  	s0 =	sor.u32 s1, s0  }
0xbc: {  	s0 =	sadd.s32 $0x8F2B, s0  }
0xbd: {  	[sflag:s0] =	ssyncadd.remote.s32 $0x1  }
0xbe: {  	_ =	sfence.sel $0xFFFF  }
0xbf: {  	[dreg:$0x0] =	wrdreg $0xFFFFFFFF;
	(pc) =	sbr.abs _section_cstart, $3  }
0xc0: {  	[dreg:$0x1] =	wrdreg $0xFFFFFFFF  }
0xc1: {  	_ =	task.clear_ibuf [dreg:s7], $0x2FFFF;
	_ =	strace $0x9FFFFFFF  }
0xc2: {  	(tm) =	ssettm $0x7FFFFFFF  }
0xc3: {  	_ =	shalt  }
tec
execute0_lowered:
.L_overlay_start_1:
0x0: {  	(tag) =	ssettag $0x1  }
0x1: {  	s0 =	rddreg [dreg:$0x0]  }
0x2: {  	s5 =	rddreg [dreg:$0x1]  }
0x3: {  	s2 =	srdreg.scid;
	s1 =	stileid.u32;
	s26 =	simm.s32 $0x880  }
0x4: {  	s9 =	simm.s32 $0x1080;
	s10 =	simm.s32 $0x1880;
	s11 =	simm.s32 $0x2080  }
0x5: {  	s12 =	simm.s32 $0x2880;
	s13 =	simm.s32 $0x3080;
	s14 =	simm.s32 $0x3880  }
0x6: {  	s15 =	simm.s32 $0x4080;
	s16 =	simm.s32 $0x4880;
	s17 =	simm.s32 $0x5080  }
0x7: {  	s18 =	simm.s32 $0x5880;
	s19 =	simm.s32 $0x6080;
	s20 =	simm.s32 $0x6880  }
0x8: {  	s21 =	simm.s32 $0x7080;
	s22 =	simm.s32 $0x7880;
	s23 =	simm.s32 $0x8080  }
0x9: {  	s28 =	simm.s32 $0xA080;
	s29 =	simm.s32 $0xA880;
	s30 =	simm.s32 $0xB080  }
0xa: {  	s31 =	simm.s32 $0xB880;
	s3 =	sand.u32 $0x1, s2;
	s2 =	simm.s32 $0x0  }
0xb: {  	s4 =	sshll.u32 s1, $0x4;
	s6 =	sshll.u32 s3, $0x3;
	[smem:$0x7FF] =	sst s2  }
0xc: {  	s7 =	ssub.s32 $0x2, s3;
	s3 =	sadd.s32 $0x200, s0;
	s4 =	sor.u32 s6, s4  }
0xd: {  	_ =	strace $0x8000004A;
	s24 =	sshrl.u32 s7, $0x1;
	[dreg:$0x5] =	wrdreg s26  }
0xe: {  	s26 =	simm.s32 $0x9880;
	s8 =	smul.u32 $0x300, s4;
	s6 =	ssub.s32 s7, s24  }
0xf: {  	s4 =	sadd.s32 s0, s4;
	s7 =	simm.s32 $0x2;
	s24 =	simm.s32 $0x8880  }
0x10: {  	v2 =	vlaneseq.u32;
	[dreg:$0x3] =	wrdreg s4;
	s4 =	sadd.s32 $0x300, s0;
	s6 =	smax.u32 s6, $0x1  }
0x11: {  	vm0 =	vmmov $0xffff;
	v1 =	vshrl.u32 v2, $0x3;
	s25 =	sadd.s32 s5, s8;
	s5 =	sadd.s32 $0x400, s0;
	s8 =	simm.s32 $0x80  }
0x12: {  	v0 =	vand.u32 $0x7, v2;
	v2 =	vor.u32 $0x8, v2;
	v1 =	vmul.u32 $0x8, v1;
	s0 =	simm.s32 $0x1;
	[dreg:$0x4] =	wrdreg s25;
	s25 =	simm.s32 $0x9080  }
.LBB2_1:
0x13: {  	s1 =	rddreg [dreg:$0x3]  }
0x14: {  	[tilespmem:s2], [sflag:$0x2] =	stream.linear.gather [hbm4b:s1+s2], $0x40, $0x38;
	[tilespmem:$0xC080] =	vst v63  }
0x15: {  	_ =	swait.ge [sflag:s7], $0x40  }
0x16: {  	[sflag:s7] =	ssyncset.done $0x0  }
0x17: {  	[sflag:s7] =	ssyncadd.s32 $0xFFFFFFC0  }
0x18: {  	v3 =	vld [tilespmem:$0x0];
	_ =	sdelay $0x4  }
0x19: {  	v4 =	vshrl.u32 v3, $0x3  }
0x1a: {  	v4 =	vmul.u32 $0x30, v4  }
0x1b: {  	v3 =	vand.u32 $0x7, v3  }
0x1c: {  	v3 =	vor.u32 v3, v4  }
0x1d: {  	v4 =	vperm.xlane v3, v0;
	_ =	sdelay $0x1  }
0x1e: {  	v4 =	vadd.s32 v1, v4;
	_ =	sdelay $0x3  }
0x1f: {  	v3 =	vperm.xlane v3, v2  }
0x20: {  	[tilespmem:s8], [sflag:$0x1] =	stream.indirect_vreg.gather [hbm4b:s3+s2], $0x80, v4, vm0, $0xb8;
	[tilespmem:$0xC080] =	vst v63  }
0x21: {  	s1 =	rddreg [dreg:$0x5];
	v3 =	vadd.s32 v1, v3  }
0x22: {  	[tilespmem:s1], [sflag:$0x1] =	stream.indirect_vreg.gather [hbm4b:s4+s2], $0x80, v4, vm0, $0xb8;
	[tilespmem:$0xC080] =	vst v63  }
0x23: {  	_ = 	snop  }
0x24: {  	[tilespmem:s9], [sflag:$0x1] =	stream.indirect_vreg.gather [hbm4b:s5+s2], $0x80, v4, vm0, $0xb8;
	[tilespmem:$0xC080] =	vst v63  }
0x25: {  	_ = 	snop  }
0x26: {  	[tilespmem:s10], [sflag:$0x1] =	stream.indirect_vreg.gather [hbm4b:s3+s2], $0x80, v3, vm0, $0xb8;
	[tilespmem:$0xC080] =	vst v63  }
0x27: {  	_ = 	snop  }
0x28: {  	[tilespmem:s11], [sflag:$0x1] =	stream.indirect_vreg.gather [hbm4b:s4+s2], $0x80, v3, vm0, $0xb8;
	[tilespmem:$0xC080] =	vst v63  }
0x29: {  	_ = 	snop  }
0x2a: {  	[tilespmem:s12], [sflag:$0x1] =	stream.indirect_vreg.gather [hbm4b:s5+s2], $0x80, v3, vm0, $0xb8;
	[tilespmem:$0xC080] =	vst v63  }
0x2b: {  	v3 =	vld [tilespmem:$0x10];
	_ =	sdelay $0x4  }
0x2c: {  	v61 =	vshrl.u32 v3, $0x3  }
0x2d: {  	v4 =	vmul.u32 $0x30, v61  }
0x2e: {  	v3 =	vand.u32 $0x7, v3  }
0x2f: {  	v3 =	vor.u32 v3, v4  }
0x30: {  	v4 =	vperm.xlane v3, v0;
	_ =	sdelay $0x1  }
0x31: {  	v4 =	vadd.s32 v1, v4;
	_ =	sdelay $0x3  }
0x32: {  	v3 =	vperm.xlane v3, v2  }
0x33: {  	[tilespmem:s13], [sflag:$0x1] =	stream.indirect_vreg.gather [hbm4b:s3+s2], $0x80, v4, vm0, $0xb8;
	[tilespmem:$0xC080] =	vst v63  }
0x34: {  	v3 =	vadd.s32 v1, v3  }
0x35: {  	[tilespmem:s14], [sflag:$0x1] =	stream.indirect_vreg.gather [hbm4b:s4+s2], $0x80, v4, vm0, $0xb8;
	[tilespmem:$0xC080] =	vst v63  }
0x36: {  	_ = 	snop  }
0x37: {  	[tilespmem:s15], [sflag:$0x1] =	stream.indirect_vreg.gather [hbm4b:s5+s2], $0x80, v4, vm0, $0xb8;
	[tilespmem:$0xC080] =	vst v63  }
0x38: {  	_ = 	snop  }
0x39: {  	[tilespmem:s16], [sflag:$0x1] =	stream.indirect_vreg.gather [hbm4b:s3+s2], $0x80, v3, vm0, $0xb8;
	[tilespmem:$0xC080] =	vst v63  }
0x3a: {  	_ = 	snop  }
0x3b: {  	[tilespmem:s17], [sflag:$0x1] =	stream.indirect_vreg.gather [hbm4b:s4+s2], $0x80, v3, vm0, $0xb8;
	[tilespmem:$0xC080] =	vst v63  }
0x3c: {  	_ = 	snop  }
0x3d: {  	[tilespmem:s18], [sflag:$0x1] =	stream.indirect_vreg.gather [hbm4b:s5+s2], $0x80, v3, vm0, $0xb8;
	[tilespmem:$0xC080] =	vst v63  }
0x3e: {  	v3 =	vld [tilespmem:$0x20];
	_ =	sdelay $0x4  }
0x3f: {  	v62 =	vshrl.u32 v3, $0x3  }
0x40: {  	v4 =	vmul.u32 $0x30, v62  }
0x41: {  	v3 =	vand.u32 $0x7, v3  }
0x42: {  	v3 =	vor.u32 v3, v4  }
0x43: {  	v4 =	vperm.xlane v3, v0;
	_ =	sdelay $0x1  }
0x44: {  	v4 =	vadd.s32 v1, v4;
	_ =	sdelay $0x3  }
0x45: {  	v3 =	vperm.xlane v3, v2  }
0x46: {  	[tilespmem:s19], [sflag:$0x1] =	stream.indirect_vreg.gather [hbm4b:s3+s2], $0x80, v4, vm0, $0xb8;
	[tilespmem:$0xC080] =	vst v63  }
0x47: {  	v3 =	vadd.s32 v1, v3  }
0x48: {  	[tilespmem:s20], [sflag:$0x1] =	stream.indirect_vreg.gather [hbm4b:s4+s2], $0x80, v4, vm0, $0xb8;
	[tilespmem:$0xC080] =	vst v63  }
0x49: {  	_ = 	snop  }
0x4a: {  	[tilespmem:s21], [sflag:$0x1] =	stream.indirect_vreg.gather [hbm4b:s5+s2], $0x80, v4, vm0, $0xb8;
	[tilespmem:$0xC080] =	vst v63  }
0x4b: {  	_ = 	snop  }
0x4c: {  	[tilespmem:s22], [sflag:$0x1] =	stream.indirect_vreg.gather [hbm4b:s3+s2], $0x80, v3, vm0, $0xb8;
	[tilespmem:$0xC080] =	vst v63  }
0x4d: {  	_ = 	snop  }
0x4e: {  	[tilespmem:s23], [sflag:$0x1] =	stream.indirect_vreg.gather [hbm4b:s4+s2], $0x80, v3, vm0, $0xb8;
	[tilespmem:$0xC080] =	vst v63  }
0x4f: {  	_ = 	snop  }
0x50: {  	[tilespmem:s24], [sflag:$0x1] =	stream.indirect_vreg.gather [hbm4b:s5+s2], $0x80, v3, vm0, $0xb8;
	[tilespmem:$0xC080] =	vst v63  }
0x51: {  	v3 =	vld [tilespmem:$0x30];
	_ =	sdelay $0x4  }
0x52: {  	v63 =	vshrl.u32 v3, $0x3  }
0x53: {  	v4 =	vmul.u32 $0x30, v63  }
0x54: {  	v3 =	vand.u32 $0x7, v3  }
0x55: {  	v3 =	vor.u32 v3, v4  }
0x56: {  	v4 =	vperm.xlane v3, v0;
	_ =	sdelay $0x1  }
0x57: {  	v4 =	vadd.s32 v1, v4;
	_ =	sdelay $0x3  }
0x58: {  	v3 =	vperm.xlane v3, v2  }
0x59: {  	[tilespmem:s25], [sflag:$0x1] =	stream.indirect_vreg.gather [hbm4b:s3+s2], $0x80, v4, vm0, $0xb8;
	[tilespmem:$0xC080] =	vst v63  }
0x5a: {  	v3 =	vadd.s32 v1, v3  }
0x5b: {  	[tilespmem:s26], [sflag:$0x1] =	stream.indirect_vreg.gather [hbm4b:s4+s2], $0x80, v4, vm0, $0xb8;
	[tilespmem:$0xC080] =	vst v63  }
0x5c: {  	_ = 	snop  }
0x5d: {  	[tilespmem:s28], [sflag:$0x1] =	stream.indirect_vreg.gather [hbm4b:s5+s2], $0x80, v4, vm0, $0xb8;
	[tilespmem:$0xC080] =	vst v63  }
0x5e: {  	_ = 	snop  }
0x5f: {  	[tilespmem:s29], [sflag:$0x1] =	stream.indirect_vreg.gather [hbm4b:s3+s2], $0x80, v3, vm0, $0xb8;
	[tilespmem:$0xC080] =	vst v63  }
0x60: {  	_ = 	snop  }
0x61: {  	[tilespmem:s30], [sflag:$0x1] =	stream.indirect_vreg.gather [hbm4b:s4+s2], $0x80, v3, vm0, $0xb8;
	[tilespmem:$0xC080] =	vst v63  }
0x62: {  	_ = 	snop  }
0x63: {  	[tilespmem:s31], [sflag:$0x1] =	stream.indirect_vreg.gather [hbm4b:s5+s2], $0x80, v3, vm0, $0xb8;
	[tilespmem:$0xC080] =	vst v63  }
0x64: {  	_ =	swait.ge [sflag:s0], $0xC000  }
0x65: {  	p0 =	sne.s32 s6, $0x1;
	[sflag:s0] =	ssyncset.done $0x0  }
.Ltmp0:
0x66: {  	s1 =	rddreg [dreg:$0x4];
	[sflag:s0] =	ssyncadd.s32 $0xFFFF4000;
	(pc) =	sbr.rel @p0 .LBB2_1-.Ltmp0, $4  }
0x67: {  	[hbm4b:s1+s2] =	stream.linear.scatter [tilespmem:s8], [sflag:$0x2], $0xC000, $0x38;
	[tilespmem:$0xC080] =	vst v63  }
0x68: {  	_ =	swait.ge [sflag:s7], $0xC000  }
0x69: {  	[sflag:s7] =	ssyncset.done $0x0  }
0x6a: {  	s6 =	sadd.s32 $0xFFFFFFFF, s6;
	[sflag:s7] =	ssyncadd.s32 $0xFFFF4000  }
0x6b: {  	_ =	sfence.sel $0x180000  }
0x6c: {  	[bflag:$0x0] =	sbarrier.arrive $0xFFFF  }
0x6d: {  	_ =	strace $0x9000004A  }
0x6e: {  	s0 =	stileid.u32;
	[bflag:$0x2] =	sbarrier.arrive $0xFFFF  }
0x6f: {  	p0 =	sne.s32 s0, $0x0;
	s0 =	rddreg [dreg:$0x2]  }
0x70: {  	s0 =	sadd.s32 @!p0 $0x100000, s0  }
0x71: {  	[sflag:s0] =	ssyncadd.tile.s32 @!p0 $0x1;
	_ =	shalt  }
.Lfunc_end2:
_tile_overlayer_lowered:
.L_overlay_start_2:
0x72: {  	(tag) =	ssettag $0x2  }
0x73: {  	s0 =	rddreg [dreg:$0x0];
	s2 =	stileid.u32  }
0x74: {  	s1 =	rddreg [dreg:$0x1];
	p0 =	sne.s32 s2, $0x0  }
0x75: {  	s3 =	rddreg [dreg:$0x2];
	[bflag:$0x3] =	sbarrier.arrive $0xFFFF;
	s2 =	simm.s32 @!p0 $0x1C02  }
0x76: {  	[timem:s3], [sflag:s2] =	dma.local @!p0 [hbm:s0], s1  }
0x77: {  	s0 =	simm.s32 @!p0 $0x2  }
0x78: {  	_ =	swait.ge @!p0 [sflag:s0], s1  }
0x79: {  	s1 =	ssub.s32 @!p0 $0x0, s1;
	[sflag:s0] =	ssyncset.done @!p0 $0x0  }
0x7a: {  	[sflag:s0] =	ssyncadd.s32 @!p0 s1  }
0x7b: {  	[bflag:$0x3] =	sbarrier.arrive $0xFFFF  }
0x7c: {  	_ =	shalt  }

</sc_bundles>
